<compile_context>
chip_gen: v7x
topology: tpu7x:2x2x1
jax: 0.10.2.dev20260603
libtpu: 0.0.44.dev20260713+nightly
codegen_flags: <defaults>
</compile_context>

<pallas_src>
import functools

import jax
import jax.numpy as jnp
from jax import lax
from jax.experimental import pallas as pl
from jax.experimental.pallas import tpu as pltpu
from jax.experimental.pallas import tpu_sc as plsc

CHUNK = 128
NBUF = 8


@functools.lru_cache(maxsize=None)
def _build(batch: int, seq: int, d: int, n_workers: int):
    b_per_w = batch // n_workers
    n_h = b_per_w // CHUNK
    n_chunks = seq * n_h
    mesh = plsc.VectorSubcoreMesh(core_axis_name="c", subcore_axis_name="s")

    @functools.partial(
        pl.kernel,
        mesh=mesh,
        out_type=jax.ShapeDtypeStruct((batch, seq, d), jnp.float32),
        scratch_types=[
            pltpu.VMEM((seq, b_per_w), jnp.int32),
            pltpu.VMEM((NBUF, CHUNK, d), jnp.float32),
        ] + [pltpu.SemaphoreType.DMA] * NBUF,
        compiler_params=pltpu.CompilerParams(use_tc_tiling_on_sc=False),
    )
    def k(idxt_hbm, weight_hbm, out_hbm, idx_v, rows_v, *gsems):
        nc = plsc.get_sparse_core_info().num_cores
        wid = lax.axis_index("s") * nc + lax.axis_index("c")
        base = wid * b_per_w
        pltpu.sync_copy(idxt_hbm.at[:, pl.ds(base, b_per_w)], idx_v)

        def idx_at(g):
            s, h = g // n_h, g % n_h
            return idx_v.at[s, pl.ds(h * CHUNK, CHUNK)]

        def out_at(g):
            s, h = g // n_h, g % n_h
            return out_hbm.at[pl.ds(base + h * CHUNK, CHUNK), s]

        for b in range(NBUF):
            pltpu.async_copy(weight_hbm.at[idx_at(b)], rows_v.at[b],
                             gsems[b])

        def step(st, carry):
            for b in range(NBUF):
                g = st * NBUF + b
                pltpu.make_async_copy(weight_hbm.at[idx_at(g)],
                                      rows_v.at[b], gsems[b]).wait()
                pltpu.sync_copy(rows_v.at[b], out_at(g))
                gn = jnp.minimum(g + NBUF, n_chunks - 1)
                pltpu.async_copy(weight_hbm.at[idx_at(gn)], rows_v.at[b],
                                 gsems[b])
            return carry

        lax.fori_loop(0, n_chunks // NBUF, step, 0)

        for b in range(NBUF):
            pltpu.make_async_copy(weight_hbm.at[idx_at(n_chunks - 1)],
                                  rows_v.at[b], gsems[b]).wait()

    return k


def kernel(token_ids, weight):
    batch, seq = token_ids.shape
    vocab, d = weight.shape
    info = plsc.get_sparse_core_info()
    n_workers = info.num_cores * info.num_subcores
    idx_t = token_ids.T.astype(jnp.int32)
    return _build(batch, seq, d, n_workers)(idx_t, weight)

# --- scband reference (transcript-rebuilt; emitter-appended) ---
"""Pipeline reference for scband-embedding-42185168781958 (READ-ONLY COPY).

The authoritative reference and input builder live on the scoring server;
editing this copy changes nothing except your own understanding.
"""

import jax, jax.numpy as jnp
import numpy as np


def setup_inputs(seed: int = 0) -> dict:
    key = jax.random.key(seed)
    k1, k2 = jax.random.split(key)
    token_ids = jax.random.randint(k1, (16384, 50), 0, 1000000, dtype=jnp.int64 if jax.config.jax_enable_x64 else jnp.int32)
    # Learned embedding table per init_kwargs: truncated normal, std=1, clipped to [-3, 3]
    weight = jax.random.truncated_normal(k2, -3.0, 3.0, (1000000, 64), dtype=jnp.float32)
    return {"token_ids": token_ids, "weight": weight}


def reference(token_ids, weight):
    # Embedding lookup: weight[token_ids]
    return jnp.take(weight, token_ids, axis=0)

if __name__ == "__main__":
    import jax
    _d = setup_inputs()
    print(jax.jit(kernel)(*tuple(_d.values())))

</pallas_src>

<mosaic_0001>
#map = affine_map<(d0, d1) -> (0, 0)>
#map1 = affine_map<(d0, d1) -> (0, 0, 0)>
module attributes {stable_mosaic.version = 14 : i64} {
  func.func @k(%arg0: i32, %arg1: i32, %arg2: memref<50x16384xi32, #tpu.memory_space<hbm>>, %arg3: memref<1000000x64xf32, #tpu.memory_space<hbm>>, %arg4: memref<16384x50x64xf32, #tpu.memory_space<hbm>>, %arg5: memref<50x512xi32, #tpu.memory_space<vmem>>, %arg6: memref<8x128x64xf32, #tpu.memory_space<vmem>>, %arg7: memref<!tpu.dma_semaphore, #tpu.memory_space<semaphore_mem>>, %arg8: memref<!tpu.dma_semaphore, #tpu.memory_space<semaphore_mem>>, %arg9: memref<!tpu.dma_semaphore, #tpu.memory_space<semaphore_mem>>, %arg10: memref<!tpu.dma_semaphore, #tpu.memory_space<semaphore_mem>>, %arg11: memref<!tpu.dma_semaphore, #tpu.memory_space<semaphore_mem>>, %arg12: memref<!tpu.dma_semaphore, #tpu.memory_space<semaphore_mem>>, %arg13: memref<!tpu.dma_semaphore, #tpu.memory_space<semaphore_mem>>, %arg14: memref<!tpu.dma_semaphore, #tpu.memory_space<semaphore_mem>>) attributes {dimension_semantics = [#tpu.dimension_semantics<core_parallel>, #tpu.dimension_semantics<subcore_parallel>], iteration_bounds = array<i64: 2, 16>, scalar_prefetch = 0 : i64, scratch_operands = 10 : i64, tpu.core_type = #tpu.core_type<sc_vector_subcore>, window_params = [{transform_indices = #map}, {transform_indices = #map}, {transform_indices = #map1}]} {
    %mul3A = arith.constant 2 : i32
    %mul3A_0 = arith.muli %arg1, %mul3A : i32
    %add3A = arith.addi %mul3A_0, %arg0 : i32
    %mul3A_1 = arith.constant 512 : i32
    %mul3A_2 = arith.muli %add3A, %mul3A_1 : i32
    "tpu.region"() ({
      %run_scoped3A = tpu.sem_alloc : memref<!tpu.dma_semaphore, #tpu.memory_space<semaphore_mem>>
      %dma_start3A_198 = arith.constant 0 : i32
      %dma_start3A_199 = tpu.memref_slice %arg2[%dma_start3A_198, %mul3A_2] : memref<50x16384xi32, #tpu.memory_space<hbm>> -> memref<50x512xi32, #tpu.memory_space<hbm>>
      %dma_start3A_200 = arith.constant 0 : i32
      %dma_start3A_201 = tpu.memref_slice %arg2[%dma_start3A_200, %mul3A_2] : memref<50x16384xi32, #tpu.memory_space<hbm>> -> memref<50x512xi32, #tpu.memory_space<hbm>>
      tpu.enqueue_dma source(%dma_start3A_201 : memref<50x512xi32, #tpu.memory_space<hbm>>) target(%arg5 : memref<50x512xi32, #tpu.memory_space<vmem>>) target_semaphore(%run_scoped3A : memref<!tpu.dma_semaphore, #tpu.memory_space<semaphore_mem>>)
      %dma_wait3A_202 = arith.constant 0 : i32
      %dma_wait3A_203 = tpu.memref_slice %arg2[%dma_wait3A_202, %mul3A_2] : memref<50x16384xi32, #tpu.memory_space<hbm>> -> memref<50x512xi32, #tpu.memory_space<hbm>>
      %dma_wait3A_204 = arith.constant 0 : i32
      %dma_wait3A_205 = tpu.memref_slice %arg2[%dma_wait3A_204, %mul3A_2] : memref<50x16384xi32, #tpu.memory_space<hbm>> -> memref<50x512xi32, #tpu.memory_space<hbm>>
      tpu.wait_dma2 semaphore(%run_scoped3A : memref<!tpu.dma_semaphore, #tpu.memory_space<semaphore_mem>>) src(%dma_wait3A_205 : memref<50x512xi32, #tpu.memory_space<hbm>>) dst(%arg5 : memref<50x512xi32, #tpu.memory_space<vmem>>)
      tpu.yield
    }) : () -> ()
    %dma_start3A = arith.constant 0 : i32
    %dma_start3A_3 = arith.constant 0 : i32
    %dma_start3A_4 = arith.constant 0 : i32
    %dma_start3A_5 = arith.constant 0 : i32
    %dma_start3A_6 = tpu.memref_slice %arg6[%dma_start3A_3, %dma_start3A_4, %dma_start3A_5] : memref<8x128x64xf32, #tpu.memory_space<vmem>> -> memref<1x128x64xf32, #tpu.memory_space<vmem>>
    %dma_start3A_7 = tpu.memref_squeeze %dma_start3A_6 : memref<1x128x64xf32, #tpu.memory_space<vmem>> -> memref<128x64xf32, #tpu.memory_space<vmem>>
    %dma_start3A_8 = arith.constant 0 : i32
    %dma_start3A_9 = tpu.memref_slice %arg5[%dma_start3A, %dma_start3A_8] : memref<50x512xi32, #tpu.memory_space<vmem>> -> memref<1x128xi32, #tpu.memory_space<vmem>>
    %dma_start3A_10 = tpu.memref_squeeze %dma_start3A_9 : memref<1x128xi32, #tpu.memory_space<vmem>> -> memref<128xi32, #tpu.memory_space<vmem>>
    %dma_start3A_11 = arith.constant 0 : i32
    %dma_start3A_12 = arith.constant 0 : i32
    %dma_start3A_13 = tpu.memref_slice %arg3[%dma_start3A_11, %dma_start3A_12] : memref<1000000x64xf32, #tpu.memory_space<hbm>> -> memref<1000000x64xf32, #tpu.memory_space<hbm>>
    tpu.enqueue_indirect_dma source(%dma_start3A_13 : memref<1000000x64xf32, #tpu.memory_space<hbm>>) target(%dma_start3A_7 : memref<128x64xf32, #tpu.memory_space<vmem>>) offsets(%dma_start3A_10 : memref<128xi32, #tpu.memory_space<vmem>>) semaphore(%arg7 : memref<!tpu.dma_semaphore, #tpu.memory_space<semaphore_mem>>)
    %dma_start3A_14 = arith.constant 0 : i32
    %dma_start3A_15 = arith.constant 1 : i32
    %dma_start3A_16 = arith.constant 0 : i32
    %dma_start3A_17 = arith.constant 0 : i32
    %dma_start3A_18 = tpu.memref_slice %arg6[%dma_start3A_15, %dma_start3A_16, %dma_start3A_17] : memref<8x128x64xf32, #tpu.memory_space<vmem>> -> memref<1x128x64xf32, #tpu.memory_space<vmem>>
    %dma_start3A_19 = tpu.memref_squeeze %dma_start3A_18 : memref<1x128x64xf32, #tpu.memory_space<vmem>> -> memref<128x64xf32, #tpu.memory_space<vmem>>
    %dma_start3A_20 = arith.constant 128 : i32
    %dma_start3A_21 = tpu.memref_slice %arg5[%dma_start3A_14, %dma_start3A_20] : memref<50x512xi32, #tpu.memory_space<vmem>> -> memref<1x128xi32, #tpu.memory_space<vmem>>
    %dma_start3A_22 = tpu.memref_squeeze %dma_start3A_21 : memref<1x128xi32, #tpu.memory_space<vmem>> -> memref<128xi32, #tpu.memory_space<vmem>>
    %dma_start3A_23 = arith.constant 0 : i32
    %dma_start3A_24 = arith.constant 0 : i32
    %dma_start3A_25 = tpu.memref_slice %arg3[%dma_start3A_23, %dma_start3A_24] : memref<1000000x64xf32, #tpu.memory_space<hbm>> -> memref<1000000x64xf32, #tpu.memory_space<hbm>>
    tpu.enqueue_indirect_dma source(%dma_start3A_25 : memref<1000000x64xf32, #tpu.memory_space<hbm>>) target(%dma_start3A_19 : memref<128x64xf32, #tpu.memory_space<vmem>>) offsets(%dma_start3A_22 : memref<128xi32, #tpu.memory_space<vmem>>) semaphore(%arg8 : memref<!tpu.dma_semaphore, #tpu.memory_space<semaphore_mem>>)
    %dma_start3A_26 = arith.constant 0 : i32
    %dma_start3A_27 = arith.constant 2 : i32
    %dma_start3A_28 = arith.constant 0 : i32
    %dma_start3A_29 = arith.constant 0 : i32
    %dma_start3A_30 = tpu.memref_slice %arg6[%dma_start3A_27, %dma_start3A_28, %dma_start3A_29] : memref<8x128x64xf32, #tpu.memory_space<vmem>> -> memref<1x128x64xf32, #tpu.memory_space<vmem>>
    %dma_start3A_31 = tpu.memref_squeeze %dma_start3A_30 : memref<1x128x64xf32, #tpu.memory_space<vmem>> -> memref<128x64xf32, #tpu.memory_space<vmem>>
    %dma_start3A_32 = arith.constant 256 : i32
    %dma_start3A_33 = tpu.memref_slice %arg5[%dma_start3A_26, %dma_start3A_32] : memref<50x512xi32, #tpu.memory_space<vmem>> -> memref<1x128xi32, #tpu.memory_space<vmem>>
    %dma_start3A_34 = tpu.memref_squeeze %dma_start3A_33 : memref<1x128xi32, #tpu.memory_space<vmem>> -> memref<128xi32, #tpu.memory_space<vmem>>
    %dma_start3A_35 = arith.constant 0 : i32
    %dma_start3A_36 = arith.constant 0 : i32
    %dma_start3A_37 = tpu.memref_slice %arg3[%dma_start3A_35, %dma_start3A_36] : memref<1000000x64xf32, #tpu.memory_space<hbm>> -> memref<1000000x64xf32, #tpu.memory_space<hbm>>
    tpu.enqueue_indirect_dma source(%dma_start3A_37 : memref<1000000x64xf32, #tpu.memory_space<hbm>>) target(%dma_start3A_31 : memref<128x64xf32, #tpu.memory_space<vmem>>) offsets(%dma_start3A_34 : memref<128xi32, #tpu.memory_space<vmem>>) semaphore(%arg9 : memref<!tpu.dma_semaphore, #tpu.memory_space<semaphore_mem>>)
    %dma_start3A_38 = arith.constant 0 : i32
    %dma_start3A_39 = arith.constant 3 : i32
    %dma_start3A_40 = arith.constant 0 : i32
    %dma_start3A_41 = arith.constant 0 : i32
    %dma_start3A_42 = tpu.memref_slice %arg6[%dma_start3A_39, %dma_start3A_40, %dma_start3A_41] : memref<8x128x64xf32, #tpu.memory_space<vmem>> -> memref<1x128x64xf32, #tpu.memory_space<vmem>>
    %dma_start3A_43 = tpu.memref_squeeze %dma_start3A_42 : memref<1x128x64xf32, #tpu.memory_space<vmem>> -> memref<128x64xf32, #tpu.memory_space<vmem>>
    %dma_start3A_44 = arith.constant 384 : i32
    %dma_start3A_45 = tpu.memref_slice %arg5[%dma_start3A_38, %dma_start3A_44] : memref<50x512xi32, #tpu.memory_space<vmem>> -> memref<1x128xi32, #tpu.memory_space<vmem>>
    %dma_start3A_46 = tpu.memref_squeeze %dma_start3A_45 : memref<1x128xi32, #tpu.memory_space<vmem>> -> memref<128xi32, #tpu.memory_space<vmem>>
    %dma_start3A_47 = arith.constant 0 : i32
    %dma_start3A_48 = arith.constant 0 : i32
    %dma_start3A_49 = tpu.memref_slice %arg3[%dma_start3A_47, %dma_start3A_48] : memref<1000000x64xf32, #tpu.memory_space<hbm>> -> memref<1000000x64xf32, #tpu.memory_space<hbm>>
    tpu.enqueue_indirect_dma source(%dma_start3A_49 : memref<1000000x64xf32, #tpu.memory_space<hbm>>) target(%dma_start3A_43 : memref<128x64xf32, #tpu.memory_space<vmem>>) offsets(%dma_start3A_46 : memref<128xi32, #tpu.memory_space<vmem>>) semaphore(%arg10 : memref<!tpu.dma_semaphore, #tpu.memory_space<semaphore_mem>>)
    %dma_start3A_50 = arith.constant 1 : i32
    %dma_start3A_51 = arith.constant 4 : i32
    %dma_start3A_52 = arith.constant 0 : i32
    %dma_start3A_53 = arith.constant 0 : i32
    %dma_start3A_54 = tpu.memref_slice %arg6[%dma_start3A_51, %dma_start3A_52, %dma_start3A_53] : memref<8x128x64xf32, #tpu.memory_space<vmem>> -> memref<1x128x64xf32, #tpu.memory_space<vmem>>
    %dma_start3A_55 = tpu.memref_squeeze %dma_start3A_54 : memref<1x128x64xf32, #tpu.memory_space<vmem>> -> memref<128x64xf32, #tpu.memory_space<vmem>>
    %dma_start3A_56 = arith.constant 0 : i32
    %dma_start3A_57 = tpu.memref_slice %arg5[%dma_start3A_50, %dma_start3A_56] : memref<50x512xi32, #tpu.memory_space<vmem>> -> memref<1x128xi32, #tpu.memory_space<vmem>>
    %dma_start3A_58 = tpu.memref_squeeze %dma_start3A_57 : memref<1x128xi32, #tpu.memory_space<vmem>> -> memref<128xi32, #tpu.memory_space<vmem>>
    %dma_start3A_59 = arith.constant 0 : i32
    %dma_start3A_60 = arith.constant 0 : i32
    %dma_start3A_61 = tpu.memref_slice %arg3[%dma_start3A_59, %dma_start3A_60] : memref<1000000x64xf32, #tpu.memory_space<hbm>> -> memref<1000000x64xf32, #tpu.memory_space<hbm>>
    tpu.enqueue_indirect_dma source(%dma_start3A_61 : memref<1000000x64xf32, #tpu.memory_space<hbm>>) target(%dma_start3A_55 : memref<128x64xf32, #tpu.memory_space<vmem>>) offsets(%dma_start3A_58 : memref<128xi32, #tpu.memory_space<vmem>>) semaphore(%arg11 : memref<!tpu.dma_semaphore, #tpu.memory_space<semaphore_mem>>)
    %dma_start3A_62 = arith.constant 1 : i32
    %dma_start3A_63 = arith.constant 5 : i32
    %dma_start3A_64 = arith.constant 0 : i32
    %dma_start3A_65 = arith.constant 0 : i32
    %dma_start3A_66 = tpu.memref_slice %arg6[%dma_start3A_63, %dma_start3A_64, %dma_start3A_65] : memref<8x128x64xf32, #tpu.memory_space<vmem>> -> memref<1x128x64xf32, #tpu.memory_space<vmem>>
    %dma_start3A_67 = tpu.memref_squeeze %dma_start3A_66 : memref<1x128x64xf32, #tpu.memory_space<vmem>> -> memref<128x64xf32, #tpu.memory_space<vmem>>
    %dma_start3A_68 = arith.constant 128 : i32
    %dma_start3A_69 = tpu.memref_slice %arg5[%dma_start3A_62, %dma_start3A_68] : memref<50x512xi32, #tpu.memory_space<vmem>> -> memref<1x128xi32, #tpu.memory_space<vmem>>
    %dma_start3A_70 = tpu.memref_squeeze %dma_start3A_69 : memref<1x128xi32, #tpu.memory_space<vmem>> -> memref<128xi32, #tpu.memory_space<vmem>>
    %dma_start3A_71 = arith.constant 0 : i32
    %dma_start3A_72 = arith.constant 0 : i32
    %dma_start3A_73 = tpu.memref_slice %arg3[%dma_start3A_71, %dma_start3A_72] : memref<1000000x64xf32, #tpu.memory_space<hbm>> -> memref<1000000x64xf32, #tpu.memory_space<hbm>>
    tpu.enqueue_indirect_dma source(%dma_start3A_73 : memref<1000000x64xf32, #tpu.memory_space<hbm>>) target(%dma_start3A_67 : memref<128x64xf32, #tpu.memory_space<vmem>>) offsets(%dma_start3A_70 : memref<128xi32, #tpu.memory_space<vmem>>) semaphore(%arg12 : memref<!tpu.dma_semaphore, #tpu.memory_space<semaphore_mem>>)
    %dma_start3A_74 = arith.constant 1 : i32
    %dma_start3A_75 = arith.constant 6 : i32
    %dma_start3A_76 = arith.constant 0 : i32
    %dma_start3A_77 = arith.constant 0 : i32
    %dma_start3A_78 = tpu.memref_slice %arg6[%dma_start3A_75, %dma_start3A_76, %dma_start3A_77] : memref<8x128x64xf32, #tpu.memory_space<vmem>> -> memref<1x128x64xf32, #tpu.memory_space<vmem>>
    %dma_start3A_79 = tpu.memref_squeeze %dma_start3A_78 : memref<1x128x64xf32, #tpu.memory_space<vmem>> -> memref<128x64xf32, #tpu.memory_space<vmem>>
    %dma_start3A_80 = arith.constant 256 : i32
    %dma_start3A_81 = tpu.memref_slice %arg5[%dma_start3A_74, %dma_start3A_80] : memref<50x512xi32, #tpu.memory_space<vmem>> -> memref<1x128xi32, #tpu.memory_space<vmem>>
    %dma_start3A_82 = tpu.memref_squeeze %dma_start3A_81 : memref<1x128xi32, #tpu.memory_space<vmem>> -> memref<128xi32, #tpu.memory_space<vmem>>
    %dma_start3A_83 = arith.constant 0 : i32
    %dma_start3A_84 = arith.constant 0 : i32
    %dma_start3A_85 = tpu.memref_slice %arg3[%dma_start3A_83, %dma_start3A_84] : memref<1000000x64xf32, #tpu.memory_space<hbm>> -> memref<1000000x64xf32, #tpu.memory_space<hbm>>
    tpu.enqueue_indirect_dma source(%dma_start3A_85 : memref<1000000x64xf32, #tpu.memory_space<hbm>>) target(%dma_start3A_79 : memref<128x64xf32, #tpu.memory_space<vmem>>) offsets(%dma_start3A_82 : memref<128xi32, #tpu.memory_space<vmem>>) semaphore(%arg13 : memref<!tpu.dma_semaphore, #tpu.memory_space<semaphore_mem>>)
    %dma_start3A_86 = arith.constant 1 : i32
    %dma_start3A_87 = arith.constant 7 : i32
    %dma_start3A_88 = arith.constant 0 : i32
    %dma_start3A_89 = arith.constant 0 : i32
    %dma_start3A_90 = tpu.memref_slice %arg6[%dma_start3A_87, %dma_start3A_88, %dma_start3A_89] : memref<8x128x64xf32, #tpu.memory_space<vmem>> -> memref<1x128x64xf32, #tpu.memory_space<vmem>>
    %dma_start3A_91 = tpu.memref_squeeze %dma_start3A_90 : memref<1x128x64xf32, #tpu.memory_space<vmem>> -> memref<128x64xf32, #tpu.memory_space<vmem>>
    %dma_start3A_92 = arith.constant 384 : i32
    %dma_start3A_93 = tpu.memref_slice %arg5[%dma_start3A_86, %dma_start3A_92] : memref<50x512xi32, #tpu.memory_space<vmem>> -> memref<1x128xi32, #tpu.memory_space<vmem>>
    %dma_start3A_94 = tpu.memref_squeeze %dma_start3A_93 : memref<1x128xi32, #tpu.memory_space<vmem>> -> memref<128xi32, #tpu.memory_space<vmem>>
    %dma_start3A_95 = arith.constant 0 : i32
    %dma_start3A_96 = arith.constant 0 : i32
    %dma_start3A_97 = tpu.memref_slice %arg3[%dma_start3A_95, %dma_start3A_96] : memref<1000000x64xf32, #tpu.memory_space<hbm>> -> memref<1000000x64xf32, #tpu.memory_space<hbm>>
    tpu.enqueue_indirect_dma source(%dma_start3A_97 : memref<1000000x64xf32, #tpu.memory_space<hbm>>) target(%dma_start3A_91 : memref<128x64xf32, #tpu.memory_space<vmem>>) offsets(%dma_start3A_94 : memref<128xi32, #tpu.memory_space<vmem>>) semaphore(%arg14 : memref<!tpu.dma_semaphore, #tpu.memory_space<semaphore_mem>>)
    %scan3A = arith.constant 0 : i32
    %scan3A_98 = arith.constant 0 : i32
    %scan3A_99 = arith.constant 25 : i32
    %scan3A_100 = arith.addi %scan3A_98, %scan3A_99 : i32
    %scan3A_101 = arith.constant 1 : i32
    scf.for %scan3A_198 = %scan3A_98 to %scan3A_100 step %scan3A_101  : i32 {
      %mul3A_199 = arith.constant 8 : i32
      %mul3A_200 = arith.muli %scan3A_198, %mul3A_199 : i32
      %add3A_201 = arith.constant 0 : i32
      %add3A_202 = arith.addi %mul3A_200, %add3A_201 : i32
      %jit3A = arith.constant 4 : i32
      %div3A = arith.divsi %add3A_202, %jit3A : i32
      %sign3A = arith.constant 0 : i32
      %sign3A_203 = arith.cmpi sgt, %add3A_202, %sign3A : i32
      %sign3A_204 = arith.extui %sign3A_203 : i1 to i32
      %sign3A_205 = arith.constant 0 : i32
      %sign3A_206 = arith.cmpi slt, %add3A_202, %sign3A_205 : i32
      %sign3A_207 = arith.extui %sign3A_206 : i1 to i32
      %sign3A_208 = arith.subi %sign3A_204, %sign3A_207 : i32
      %sign3A_209 = arith.constant 0 : i32
      %sign3A_210 = arith.cmpi sgt, %jit3A, %sign3A_209 : i32
      %sign3A_211 = arith.extui %sign3A_210 : i1 to i32
      %sign3A_212 = arith.constant 0 : i32
      %sign3A_213 = arith.cmpi slt, %jit3A, %sign3A_212 : i32
      %sign3A_214 = arith.extui %sign3A_213 : i1 to i32
      %sign3A_215 = arith.subi %sign3A_211, %sign3A_214 : i32
      %ne3A = arith.cmpi ne, %sign3A_208, %sign3A_215 : i32
      %rem3A = arith.remsi %add3A_202, %jit3A : i32
      %ne3A_216 = arith.constant 0 : i32
      %ne3A_217 = arith.cmpi ne, %rem3A, %ne3A_216 : i32
      %and3A = arith.andi %ne3A, %ne3A_217 : i1
      %sub3A = arith.constant 1 : i32
      %sub3A_218 = arith.subi %div3A, %sub3A : i32
      %select_n3A = arith.select %and3A, %sub3A_218, %div3A : i32
      %jit3A_219 = arith.constant 4 : i32
      %eq3A = arith.constant 0 : i32
      %eq3A_220 = arith.cmpi eq, %jit3A_219, %eq3A : i32
      %jit3A_221 = arith.constant 1 : i32
      %select_n3A_222 = arith.select %eq3A_220, %jit3A_221, %jit3A_219 : i32
      %rem3A_223 = arith.remsi %add3A_202, %select_n3A_222 : i32
      %ne3A_224 = arith.constant 0 : i32
      %ne3A_225 = arith.cmpi ne, %rem3A_223, %ne3A_224 : i32
      %lt3A = arith.constant 0 : i32
      %lt3A_226 = arith.cmpi slt, %rem3A_223, %lt3A : i32
      %lt3A_227 = arith.constant 0 : i32
      %lt3A_228 = arith.cmpi slt, %select_n3A_222, %lt3A_227 : i32
      %ne3A_229 = arith.xori %lt3A_226, %lt3A_228 : i1
      %and3A_230 = arith.andi %ne3A_229, %ne3A_225 : i1
      %add3A_231 = arith.addi %rem3A_223, %select_n3A_222 : i32
      %select_n3A_232 = arith.select %and3A_230, %add3A_231, %rem3A_223 : i32
      %mul3A_233 = arith.constant 128 : i32
      %mul3A_234 = arith.muli %select_n3A_232, %mul3A_233 : i32
      %dma_wait3A_235 = arith.constant 0 : i32
      %dma_wait3A_236 = arith.constant 0 : i32
      %dma_wait3A_237 = arith.constant 0 : i32
      %dma_wait3A_238 = tpu.memref_slice %arg6[%dma_wait3A_235, %dma_wait3A_236, %dma_wait3A_237] : memref<8x128x64xf32, #tpu.memory_space<vmem>> -> memref<1x128x64xf32, #tpu.memory_space<vmem>>
      %dma_wait3A_239 = tpu.memref_squeeze %dma_wait3A_238 : memref<1x128x64xf32, #tpu.memory_space<vmem>> -> memref<128x64xf32, #tpu.memory_space<vmem>>
      %dma_wait3A_240 = tpu.memref_slice %arg5[%select_n3A, %mul3A_234] : memref<50x512xi32, #tpu.memory_space<vmem>> -> memref<1x128xi32, #tpu.memory_space<vmem>>
      %dma_wait3A_241 = tpu.memref_squeeze %dma_wait3A_240 : memref<1x128xi32, #tpu.memory_space<vmem>> -> memref<128xi32, #tpu.memory_space<vmem>>
      %dma_wait3A_242 = arith.constant 0 : i32
      %dma_wait3A_243 = arith.constant 0 : i32
      %dma_wait3A_244 = tpu.memref_slice %arg3[%dma_wait3A_242, %dma_wait3A_243] : memref<1000000x64xf32, #tpu.memory_space<hbm>> -> memref<1000000x64xf32, #tpu.memory_space<hbm>>
      tpu.wait_indirect_dma semaphore(%arg7 : memref<!tpu.dma_semaphore, #tpu.memory_space<semaphore_mem>>) src(%dma_wait3A_244 : memref<1000000x64xf32, #tpu.memory_space<hbm>>) dst(%dma_wait3A_239 : memref<128x64xf32, #tpu.memory_space<vmem>>)
      %jit3A_245 = arith.constant 4 : i32
      %div3A_246 = arith.divsi %add3A_202, %jit3A_245 : i32
      %sign3A_247 = arith.constant 0 : i32
      %sign3A_248 = arith.cmpi sgt, %add3A_202, %sign3A_247 : i32
      %sign3A_249 = arith.extui %sign3A_248 : i1 to i32
      %sign3A_250 = arith.constant 0 : i32
      %sign3A_251 = arith.cmpi slt, %add3A_202, %sign3A_250 : i32
      %sign3A_252 = arith.extui %sign3A_251 : i1 to i32
      %sign3A_253 = arith.subi %sign3A_249, %sign3A_252 : i32
      %sign3A_254 = arith.constant 0 : i32
      %sign3A_255 = arith.cmpi sgt, %jit3A_245, %sign3A_254 : i32
      %sign3A_256 = arith.extui %sign3A_255 : i1 to i32
      %sign3A_257 = arith.constant 0 : i32
      %sign3A_258 = arith.cmpi slt, %jit3A_245, %sign3A_257 : i32
      %sign3A_259 = arith.extui %sign3A_258 : i1 to i32
      %sign3A_260 = arith.subi %sign3A_256, %sign3A_259 : i32
      %ne3A_261 = arith.cmpi ne, %sign3A_253, %sign3A_260 : i32
      %rem3A_262 = arith.remsi %add3A_202, %jit3A_245 : i32
      %ne3A_263 = arith.constant 0 : i32
      %ne3A_264 = arith.cmpi ne, %rem3A_262, %ne3A_263 : i32
      %and3A_265 = arith.andi %ne3A_261, %ne3A_264 : i1
      %sub3A_266 = arith.constant 1 : i32
      %sub3A_267 = arith.subi %div3A_246, %sub3A_266 : i32
      %select_n3A_268 = arith.select %and3A_265, %sub3A_267, %div3A_246 : i32
      %jit3A_269 = arith.constant 4 : i32
      %eq3A_270 = arith.constant 0 : i32
      %eq3A_271 = arith.cmpi eq, %jit3A_269, %eq3A_270 : i32
      %jit3A_272 = arith.constant 1 : i32
      %select_n3A_273 = arith.select %eq3A_271, %jit3A_272, %jit3A_269 : i32
      %rem3A_274 = arith.remsi %add3A_202, %select_n3A_273 : i32
      %ne3A_275 = arith.constant 0 : i32
      %ne3A_276 = arith.cmpi ne, %rem3A_274, %ne3A_275 : i32
      %lt3A_277 = arith.constant 0 : i32
      %lt3A_278 = arith.cmpi slt, %rem3A_274, %lt3A_277 : i32
      %lt3A_279 = arith.constant 0 : i32
      %lt3A_280 = arith.cmpi slt, %select_n3A_273, %lt3A_279 : i32
      %ne3A_281 = arith.xori %lt3A_278, %lt3A_280 : i1
      %and3A_282 = arith.andi %ne3A_281, %ne3A_276 : i1
      %add3A_283 = arith.addi %rem3A_274, %select_n3A_273 : i32
      %select_n3A_284 = arith.select %and3A_282, %add3A_283, %rem3A_274 : i32
      %mul3A_285 = arith.constant 128 : i32
      %mul3A_286 = arith.muli %select_n3A_284, %mul3A_285 : i32
      %add3A_287 = arith.addi %mul3A_2, %mul3A_286 : i32
      %run_scoped3A = arith.constant 0 : i32
      "tpu.region"() ({
        %run_scoped3A_1435 = tpu.sem_alloc : memref<!tpu.dma_semaphore, #tpu.memory_space<semaphore_mem>>
        %dma_start3A_1436 = arith.constant 0 : i32
        %dma_start3A_1437 = arith.constant 0 : i32
        %dma_start3A_1438 = tpu.memref_slice %arg6[%run_scoped3A, %dma_start3A_1436, %dma_start3A_1437] : memref<8x128x64xf32, #tpu.memory_space<vmem>> -> memref<1x128x64xf32, #tpu.memory_space<vmem>>
        %dma_start3A_1439 = tpu.memref_squeeze %dma_start3A_1438 : memref<1x128x64xf32, #tpu.memory_space<vmem>> -> memref<128x64xf32, #tpu.memory_space<vmem>>
        %dma_start3A_1440 = arith.constant 0 : i32
        %dma_start3A_1441 = tpu.memref_slice %arg4[%add3A_287, %select_n3A_268, %dma_start3A_1440] : memref<16384x50x64xf32, #tpu.memory_space<hbm>> -> memref<128x1x64xf32, #tpu.memory_space<hbm>>
        %dma_start3A_1442 = tpu.memref_squeeze %dma_start3A_1441 : memref<128x1x64xf32, #tpu.memory_space<hbm>> -> memref<128x64xf32, #tpu.memory_space<hbm>>
        %dma_start3A_1443 = arith.constant 0 : i32
        %dma_start3A_1444 = tpu.memref_slice %arg4[%add3A_287, %select_n3A_268, %dma_start3A_1443] : memref<16384x50x64xf32, #tpu.memory_space<hbm>> -> memref<128x1x64xf32, #tpu.memory_space<hbm>>
        %dma_start3A_1445 = tpu.memref_squeeze %dma_start3A_1444 : memref<128x1x64xf32, #tpu.memory_space<hbm>> -> memref<128x64xf32, #tpu.memory_space<hbm>>
        %dma_start3A_1446 = arith.constant 0 : i32
        %dma_start3A_1447 = arith.constant 0 : i32
        %dma_start3A_1448 = tpu.memref_slice %arg6[%run_scoped3A, %dma_start3A_1446, %dma_start3A_1447] : memref<8x128x64xf32, #tpu.memory_space<vmem>> -> memref<1x128x64xf32, #tpu.memory_space<vmem>>
        %dma_start3A_1449 = tpu.memref_squeeze %dma_start3A_1448 : memref<1x128x64xf32, #tpu.memory_space<vmem>> -> memref<128x64xf32, #tpu.memory_space<vmem>>
        tpu.enqueue_dma source(%dma_start3A_1449 : memref<128x64xf32, #tpu.memory_space<vmem>>) target(%dma_start3A_1445 : memref<128x64xf32, #tpu.memory_space<hbm>>) target_semaphore(%run_scoped3A_1435 : memref<!tpu.dma_semaphore, #tpu.memory_space<semaphore_mem>>)
        %dma_wait3A_1450 = arith.constant 0 : i32
        %dma_wait3A_1451 = arith.constant 0 : i32
        %dma_wait3A_1452 = tpu.memref_slice %arg6[%run_scoped3A, %dma_wait3A_1450, %dma_wait3A_1451] : memref<8x128x64xf32, #tpu.memory_space<vmem>> -> memref<1x128x64xf32, #tpu.memory_space<vmem>>
        %dma_wait3A_1453 = tpu.memref_squeeze %dma_wait3A_1452 : memref<1x128x64xf32, #tpu.memory_space<vmem>> -> memref<128x64xf32, #tpu.memory_space<vmem>>
        %dma_wait3A_1454 = arith.constant 0 : i32
        %dma_wait3A_1455 = tpu.memref_slice %arg4[%add3A_287, %select_n3A_268, %dma_wait3A_1454] : memref<16384x50x64xf32, #tpu.memory_space<hbm>> -> memref<128x1x64xf32, #tpu.memory_space<hbm>>
        %dma_wait3A_1456 = tpu.memref_squeeze %dma_wait3A_1455 : memref<128x1x64xf32, #tpu.memory_space<hbm>> -> memref<128x64xf32, #tpu.memory_space<hbm>>
        %dma_wait3A_1457 = arith.constant 0 : i32
        %dma_wait3A_1458 = tpu.memref_slice %arg4[%add3A_287, %select_n3A_268, %dma_wait3A_1457] : memref<16384x50x64xf32, #tpu.memory_space<hbm>> -> memref<128x1x64xf32, #tpu.memory_space<hbm>>
        %dma_wait3A_1459 = tpu.memref_squeeze %dma_wait3A_1458 : memref<128x1x64xf32, #tpu.memory_space<hbm>> -> memref<128x64xf32, #tpu.memory_space<hbm>>
        %dma_wait3A_1460 = arith.constant 0 : i32
        %dma_wait3A_1461 = arith.constant 0 : i32
        %dma_wait3A_1462 = tpu.memref_slice %arg6[%run_scoped3A, %dma_wait3A_1460, %dma_wait3A_1461] : memref<8x128x64xf32, #tpu.memory_space<vmem>> -> memref<1x128x64xf32, #tpu.memory_space<vmem>>
        %dma_wait3A_1463 = tpu.memref_squeeze %dma_wait3A_1462 : memref<1x128x64xf32, #tpu.memory_space<vmem>> -> memref<128x64xf32, #tpu.memory_space<vmem>>
        tpu.wait_dma2 semaphore(%run_scoped3A_1435 : memref<!tpu.dma_semaphore, #tpu.memory_space<semaphore_mem>>) src(%dma_wait3A_1463 : memref<128x64xf32, #tpu.memory_space<vmem>>) dst(%dma_wait3A_1459 : memref<128x64xf32, #tpu.memory_space<hbm>>)
        tpu.yield
      }) : () -> ()
      %add3A_288 = arith.constant 8 : i32
      %add3A_289 = arith.addi %add3A_202, %add3A_288 : i32
      %min3A = arith.constant 199 : i32
      %min3A_290 = arith.minsi %add3A_289, %min3A : i32
      %jit3A_291 = arith.constant 4 : i32
      %div3A_292 = arith.divsi %min3A_290, %jit3A_291 : i32
      %sign3A_293 = arith.constant 0 : i32
      %sign3A_294 = arith.cmpi sgt, %min3A_290, %sign3A_293 : i32
      %sign3A_295 = arith.extui %sign3A_294 : i1 to i32
      %sign3A_296 = arith.constant 0 : i32
      %sign3A_297 = arith.cmpi slt, %min3A_290, %sign3A_296 : i32
      %sign3A_298 = arith.extui %sign3A_297 : i1 to i32
      %sign3A_299 = arith.subi %sign3A_295, %sign3A_298 : i32
      %sign3A_300 = arith.constant 0 : i32
      %sign3A_301 = arith.cmpi sgt, %jit3A_291, %sign3A_300 : i32
      %sign3A_302 = arith.extui %sign3A_301 : i1 to i32
      %sign3A_303 = arith.constant 0 : i32
      %sign3A_304 = arith.cmpi slt, %jit3A_291, %sign3A_303 : i32
      %sign3A_305 = arith.extui %sign3A_304 : i1 to i32
      %sign3A_306 = arith.subi %sign3A_302, %sign3A_305 : i32
      %ne3A_307 = arith.cmpi ne, %sign3A_299, %sign3A_306 : i32
      %rem3A_308 = arith.remsi %min3A_290, %jit3A_291 : i32
      %ne3A_309 = arith.constant 0 : i32
      %ne3A_310 = arith.cmpi ne, %rem3A_308, %ne3A_309 : i32
      %and3A_311 = arith.andi %ne3A_307, %ne3A_310 : i1
      %sub3A_312 = arith.constant 1 : i32
      %sub3A_313 = arith.subi %div3A_292, %sub3A_312 : i32
      %select_n3A_314 = arith.select %and3A_311, %sub3A_313, %div3A_292 : i32
      %jit3A_315 = arith.constant 4 : i32
      %eq3A_316 = arith.constant 0 : i32
      %eq3A_317 = arith.cmpi eq, %jit3A_315, %eq3A_316 : i32
      %jit3A_318 = arith.constant 1 : i32
      %select_n3A_319 = arith.select %eq3A_317, %jit3A_318, %jit3A_315 : i32
      %rem3A_320 = arith.remsi %min3A_290, %select_n3A_319 : i32
      %ne3A_321 = arith.constant 0 : i32
      %ne3A_322 = arith.cmpi ne, %rem3A_320, %ne3A_321 : i32
      %lt3A_323 = arith.constant 0 : i32
      %lt3A_324 = arith.cmpi slt, %rem3A_320, %lt3A_323 : i32
      %lt3A_325 = arith.constant 0 : i32
      %lt3A_326 = arith.cmpi slt, %select_n3A_319, %lt3A_325 : i32
      %ne3A_327 = arith.xori %lt3A_324, %lt3A_326 : i1
      %and3A_328 = arith.andi %ne3A_327, %ne3A_322 : i1
      %add3A_329 = arith.addi %rem3A_320, %select_n3A_319 : i32
      %select_n3A_330 = arith.select %and3A_328, %add3A_329, %rem3A_320 : i32
      %mul3A_331 = arith.constant 128 : i32
      %mul3A_332 = arith.muli %select_n3A_330, %mul3A_331 : i32
      %dma_start3A_333 = arith.constant 0 : i32
      %dma_start3A_334 = arith.constant 0 : i32
      %dma_start3A_335 = arith.constant 0 : i32
      %dma_start3A_336 = tpu.memref_slice %arg6[%dma_start3A_333, %dma_start3A_334, %dma_start3A_335] : memref<8x128x64xf32, #tpu.memory_space<vmem>> -> memref<1x128x64xf32, #tpu.memory_space<vmem>>
      %dma_start3A_337 = tpu.memref_squeeze %dma_start3A_336 : memref<1x128x64xf32, #tpu.memory_space<vmem>> -> memref<128x64xf32, #tpu.memory_space<vmem>>
      %dma_start3A_338 = tpu.memref_slice %arg5[%select_n3A_314, %mul3A_332] : memref<50x512xi32, #tpu.memory_space<vmem>> -> memref<1x128xi32, #tpu.memory_space<vmem>>
      %dma_start3A_339 = tpu.memref_squeeze %dma_start3A_338 : memref<1x128xi32, #tpu.memory_space<vmem>> -> memref<128xi32, #tpu.memory_space<vmem>>
      %dma_start3A_340 = arith.constant 0 : i32
      %dma_start3A_341 = arith.constant 0 : i32
      %dma_start3A_342 = tpu.memref_slice %arg3[%dma_start3A_340, %dma_start3A_341] : memref<1000000x64xf32, #tpu.memory_space<hbm>> -> memref<1000000x64xf32, #tpu.memory_space<hbm>>
      tpu.enqueue_indirect_dma source(%dma_start3A_342 : memref<1000000x64xf32, #tpu.memory_space<hbm>>) target(%dma_start3A_337 : memref<128x64xf32, #tpu.memory_space<vmem>>) offsets(%dma_start3A_339 : memref<128xi32, #tpu.memory_space<vmem>>) semaphore(%arg7 : memref<!tpu.dma_semaphore, #tpu.memory_space<semaphore_mem>>)
      %mul3A_343 = arith.constant 8 : i32
      %mul3A_344 = arith.muli %scan3A_198, %mul3A_343 : i32
      %add3A_345 = arith.constant 1 : i32
      %add3A_346 = arith.addi %mul3A_344, %add3A_345 : i32
      %jit3A_347 = arith.constant 4 : i32
      %div3A_348 = arith.divsi %add3A_346, %jit3A_347 : i32
      %sign3A_349 = arith.constant 0 : i32
      %sign3A_350 = arith.cmpi sgt, %add3A_346, %sign3A_349 : i32
      %sign3A_351 = arith.extui %sign3A_350 : i1 to i32
      %sign3A_352 = arith.constant 0 : i32
      %sign3A_353 = arith.cmpi slt, %add3A_346, %sign3A_352 : i32
      %sign3A_354 = arith.extui %sign3A_353 : i1 to i32
      %sign3A_355 = arith.subi %sign3A_351, %sign3A_354 : i32
      %sign3A_356 = arith.constant 0 : i32
      %sign3A_357 = arith.cmpi sgt, %jit3A_347, %sign3A_356 : i32
      %sign3A_358 = arith.extui %sign3A_357 : i1 to i32
      %sign3A_359 = arith.constant 0 : i32
      %sign3A_360 = arith.cmpi slt, %jit3A_347, %sign3A_359 : i32
      %sign3A_361 = arith.extui %sign3A_360 : i1 to i32
      %sign3A_362 = arith.subi %sign3A_358, %sign3A_361 : i32
      %ne3A_363 = arith.cmpi ne, %sign3A_355, %sign3A_362 : i32
      %rem3A_364 = arith.remsi %add3A_346, %jit3A_347 : i32
      %ne3A_365 = arith.constant 0 : i32
      %ne3A_366 = arith.cmpi ne, %rem3A_364, %ne3A_365 : i32
      %and3A_367 = arith.andi %ne3A_363, %ne3A_366 : i1
      %sub3A_368 = arith.constant 1 : i32
      %sub3A_369 = arith.subi %div3A_348, %sub3A_368 : i32
      %select_n3A_370 = arith.select %and3A_367, %sub3A_369, %div3A_348 : i32
      %jit3A_371 = arith.constant 4 : i32
      %eq3A_372 = arith.constant 0 : i32
      %eq3A_373 = arith.cmpi eq, %jit3A_371, %eq3A_372 : i32
      %jit3A_374 = arith.constant 1 : i32
      %select_n3A_375 = arith.select %eq3A_373, %jit3A_374, %jit3A_371 : i32
      %rem3A_376 = arith.remsi %add3A_346, %select_n3A_375 : i32
      %ne3A_377 = arith.constant 0 : i32
      %ne3A_378 = arith.cmpi ne, %rem3A_376, %ne3A_377 : i32
      %lt3A_379 = arith.constant 0 : i32
      %lt3A_380 = arith.cmpi slt, %rem3A_376, %lt3A_379 : i32
      %lt3A_381 = arith.constant 0 : i32
      %lt3A_382 = arith.cmpi slt, %select_n3A_375, %lt3A_381 : i32
      %ne3A_383 = arith.xori %lt3A_380, %lt3A_382 : i1
      %and3A_384 = arith.andi %ne3A_383, %ne3A_378 : i1
      %add3A_385 = arith.addi %rem3A_376, %select_n3A_375 : i32
      %select_n3A_386 = arith.select %and3A_384, %add3A_385, %rem3A_376 : i32
      %mul3A_387 = arith.constant 128 : i32
      %mul3A_388 = arith.muli %select_n3A_386, %mul3A_387 : i32
      %dma_wait3A_389 = arith.constant 1 : i32
      %dma_wait3A_390 = arith.constant 0 : i32
      %dma_wait3A_391 = arith.constant 0 : i32
      %dma_wait3A_392 = tpu.memref_slice %arg6[%dma_wait3A_389, %dma_wait3A_390, %dma_wait3A_391] : memref<8x128x64xf32, #tpu.memory_space<vmem>> -> memref<1x128x64xf32, #tpu.memory_space<vmem>>
      %dma_wait3A_393 = tpu.memref_squeeze %dma_wait3A_392 : memref<1x128x64xf32, #tpu.memory_space<vmem>> -> memref<128x64xf32, #tpu.memory_space<vmem>>
      %dma_wait3A_394 = tpu.memref_slice %arg5[%select_n3A_370, %mul3A_388] : memref<50x512xi32, #tpu.memory_space<vmem>> -> memref<1x128xi32, #tpu.memory_space<vmem>>
      %dma_wait3A_395 = tpu.memref_squeeze %dma_wait3A_394 : memref<1x128xi32, #tpu.memory_space<vmem>> -> memref<128xi32, #tpu.memory_space<vmem>>
      %dma_wait3A_396 = arith.constant 0 : i32
      %dma_wait3A_397 = arith.constant 0 : i32
      %dma_wait3A_398 = tpu.memref_slice %arg3[%dma_wait3A_396, %dma_wait3A_397] : memref<1000000x64xf32, #tpu.memory_space<hbm>> -> memref<1000000x64xf32, #tpu.memory_space<hbm>>
      tpu.wait_indirect_dma semaphore(%arg8 : memref<!tpu.dma_semaphore, #tpu.memory_space<semaphore_mem>>) src(%dma_wait3A_398 : memref<1000000x64xf32, #tpu.memory_space<hbm>>) dst(%dma_wait3A_393 : memref<128x64xf32, #tpu.memory_space<vmem>>)
      %jit3A_399 = arith.constant 4 : i32
      %div3A_400 = arith.divsi %add3A_346, %jit3A_399 : i32
      %sign3A_401 = arith.constant 0 : i32
      %sign3A_402 = arith.cmpi sgt, %add3A_346, %sign3A_401 : i32
      %sign3A_403 = arith.extui %sign3A_402 : i1 to i32
      %sign3A_404 = arith.constant 0 : i32
      %sign3A_405 = arith.cmpi slt, %add3A_346, %sign3A_404 : i32
      %sign3A_406 = arith.extui %sign3A_405 : i1 to i32
      %sign3A_407 = arith.subi %sign3A_403, %sign3A_406 : i32
      %sign3A_408 = arith.constant 0 : i32
      %sign3A_409 = arith.cmpi sgt, %jit3A_399, %sign3A_408 : i32
      %sign3A_410 = arith.extui %sign3A_409 : i1 to i32
      %sign3A_411 = arith.constant 0 : i32
      %sign3A_412 = arith.cmpi slt, %jit3A_399, %sign3A_411 : i32
      %sign3A_413 = arith.extui %sign3A_412 : i1 to i32
      %sign3A_414 = arith.subi %sign3A_410, %sign3A_413 : i32
      %ne3A_415 = arith.cmpi ne, %sign3A_407, %sign3A_414 : i32
      %rem3A_416 = arith.remsi %add3A_346, %jit3A_399 : i32
      %ne3A_417 = arith.constant 0 : i32
      %ne3A_418 = arith.cmpi ne, %rem3A_416, %ne3A_417 : i32
      %and3A_419 = arith.andi %ne3A_415, %ne3A_418 : i1
      %sub3A_420 = arith.constant 1 : i32
      %sub3A_421 = arith.subi %div3A_400, %sub3A_420 : i32
      %select_n3A_422 = arith.select %and3A_419, %sub3A_421, %div3A_400 : i32
      %jit3A_423 = arith.constant 4 : i32
      %eq3A_424 = arith.constant 0 : i32
      %eq3A_425 = arith.cmpi eq, %jit3A_423, %eq3A_424 : i32
      %jit3A_426 = arith.constant 1 : i32
      %select_n3A_427 = arith.select %eq3A_425, %jit3A_426, %jit3A_423 : i32
      %rem3A_428 = arith.remsi %add3A_346, %select_n3A_427 : i32
      %ne3A_429 = arith.constant 0 : i32
      %ne3A_430 = arith.cmpi ne, %rem3A_428, %ne3A_429 : i32
      %lt3A_431 = arith.constant 0 : i32
      %lt3A_432 = arith.cmpi slt, %rem3A_428, %lt3A_431 : i32
      %lt3A_433 = arith.constant 0 : i32
      %lt3A_434 = arith.cmpi slt, %select_n3A_427, %lt3A_433 : i32
      %ne3A_435 = arith.xori %lt3A_432, %lt3A_434 : i1
      %and3A_436 = arith.andi %ne3A_435, %ne3A_430 : i1
      %add3A_437 = arith.addi %rem3A_428, %select_n3A_427 : i32
      %select_n3A_438 = arith.select %and3A_436, %add3A_437, %rem3A_428 : i32
      %mul3A_439 = arith.constant 128 : i32
      %mul3A_440 = arith.muli %select_n3A_438, %mul3A_439 : i32
      %add3A_441 = arith.addi %mul3A_2, %mul3A_440 : i32
      %run_scoped3A_442 = arith.constant 1 : i32
      "tpu.region"() ({
        %run_scoped3A_1435 = tpu.sem_alloc : memref<!tpu.dma_semaphore, #tpu.memory_space<semaphore_mem>>
        %dma_start3A_1436 = arith.constant 0 : i32
        %dma_start3A_1437 = arith.constant 0 : i32
        %dma_start3A_1438 = tpu.memref_slice %arg6[%run_scoped3A_442, %dma_start3A_1436, %dma_start3A_1437] : memref<8x128x64xf32, #tpu.memory_space<vmem>> -> memref<1x128x64xf32, #tpu.memory_space<vmem>>
        %dma_start3A_1439 = tpu.memref_squeeze %dma_start3A_1438 : memref<1x128x64xf32, #tpu.memory_space<vmem>> -> memref<128x64xf32, #tpu.memory_space<vmem>>
        %dma_start3A_1440 = arith.constant 0 : i32
        %dma_start3A_1441 = tpu.memref_slice %arg4[%add3A_441, %select_n3A_422, %dma_start3A_1440] : memref<16384x50x64xf32, #tpu.memory_space<hbm>> -> memref<128x1x64xf32, #tpu.memory_space<hbm>>
        %dma_start3A_1442 = tpu.memref_squeeze %dma_start3A_1441 : memref<128x1x64xf32, #tpu.memory_space<hbm>> -> memref<128x64xf32, #tpu.memory_space<hbm>>
        %dma_start3A_1443 = arith.constant 0 : i32
        %dma_start3A_1444 = tpu.memref_slice %arg4[%add3A_441, %select_n3A_422, %dma_start3A_1443] : memref<16384x50x64xf32, #tpu.memory_space<hbm>> -> memref<128x1x64xf32, #tpu.memory_space<hbm>>
        %dma_start3A_1445 = tpu.memref_squeeze %dma_start3A_1444 : memref<128x1x64xf32, #tpu.memory_space<hbm>> -> memref<128x64xf32, #tpu.memory_space<hbm>>
        %dma_start3A_1446 = arith.constant 0 : i32
        %dma_start3A_1447 = arith.constant 0 : i32
        %dma_start3A_1448 = tpu.memref_slice %arg6[%run_scoped3A_442, %dma_start3A_1446, %dma_start3A_1447] : memref<8x128x64xf32, #tpu.memory_space<vmem>> -> memref<1x128x64xf32, #tpu.memory_space<vmem>>
        %dma_start3A_1449 = tpu.memref_squeeze %dma_start3A_1448 : memref<1x128x64xf32, #tpu.memory_space<vmem>> -> memref<128x64xf32, #tpu.memory_space<vmem>>
        tpu.enqueue_dma source(%dma_start3A_1449 : memref<128x64xf32, #tpu.memory_space<vmem>>) target(%dma_start3A_1445 : memref<128x64xf32, #tpu.memory_space<hbm>>) target_semaphore(%run_scoped3A_1435 : memref<!tpu.dma_semaphore, #tpu.memory_space<semaphore_mem>>)
        %dma_wait3A_1450 = arith.constant 0 : i32
        %dma_wait3A_1451 = arith.constant 0 : i32
        %dma_wait3A_1452 = tpu.memref_slice %arg6[%run_scoped3A_442, %dma_wait3A_1450, %dma_wait3A_1451] : memref<8x128x64xf32, #tpu.memory_space<vmem>> -> memref<1x128x64xf32, #tpu.memory_space<vmem>>
        %dma_wait3A_1453 = tpu.memref_squeeze %dma_wait3A_1452 : memref<1x128x64xf32, #tpu.memory_space<vmem>> -> memref<128x64xf32, #tpu.memory_space<vmem>>
        %dma_wait3A_1454 = arith.constant 0 : i32
        %dma_wait3A_1455 = tpu.memref_slice %arg4[%add3A_441, %select_n3A_422, %dma_wait3A_1454] : memref<16384x50x64xf32, #tpu.memory_space<hbm>> -> memref<128x1x64xf32, #tpu.memory_space<hbm>>
        %dma_wait3A_1456 = tpu.memref_squeeze %dma_wait3A_1455 : memref<128x1x64xf32, #tpu.memory_space<hbm>> -> memref<128x64xf32, #tpu.memory_space<hbm>>
        %dma_wait3A_1457 = arith.constant 0 : i32
        %dma_wait3A_1458 = tpu.memref_slice %arg4[%add3A_441, %select_n3A_422, %dma_wait3A_1457] : memref<16384x50x64xf32, #tpu.memory_space<hbm>> -> memref<128x1x64xf32, #tpu.memory_space<hbm>>
        %dma_wait3A_1459 = tpu.memref_squeeze %dma_wait3A_1458 : memref<128x1x64xf32, #tpu.memory_space<hbm>> -> memref<128x64xf32, #tpu.memory_space<hbm>>
        %dma_wait3A_1460 = arith.constant 0 : i32
        %dma_wait3A_1461 = arith.constant 0 : i32
        %dma_wait3A_1462 = tpu.memref_slice %arg6[%run_scoped3A_442, %dma_wait3A_1460, %dma_wait3A_1461] : memref<8x128x64xf32, #tpu.memory_space<vmem>> -> memref<1x128x64xf32, #tpu.memory_space<vmem>>
        %dma_wait3A_1463 = tpu.memref_squeeze %dma_wait3A_1462 : memref<1x128x64xf32, #tpu.memory_space<vmem>> -> memref<128x64xf32, #tpu.memory_space<vmem>>
        tpu.wait_dma2 semaphore(%run_scoped3A_1435 : memref<!tpu.dma_semaphore, #tpu.memory_space<semaphore_mem>>) src(%dma_wait3A_1463 : memref<128x64xf32, #tpu.memory_space<vmem>>) dst(%dma_wait3A_1459 : memref<128x64xf32, #tpu.memory_space<hbm>>)
        tpu.yield
      }) : () -> ()
      %add3A_443 = arith.constant 8 : i32
      %add3A_444 = arith.addi %add3A_346, %add3A_443 : i32
      %min3A_445 = arith.constant 199 : i32
      %min3A_446 = arith.minsi %add3A_444, %min3A_445 : i32
      %jit3A_447 = arith.constant 4 : i32
      %div3A_448 = arith.divsi %min3A_446, %jit3A_447 : i32
      %sign3A_449 = arith.constant 0 : i32
      %sign3A_450 = arith.cmpi sgt, %min3A_446, %sign3A_449 : i32
      %sign3A_451 = arith.extui %sign3A_450 : i1 to i32
      %sign3A_452 = arith.constant 0 : i32
      %sign3A_453 = arith.cmpi slt, %min3A_446, %sign3A_452 : i32
      %sign3A_454 = arith.extui %sign3A_453 : i1 to i32
      %sign3A_455 = arith.subi %sign3A_451, %sign3A_454 : i32
      %sign3A_456 = arith.constant 0 : i32
      %sign3A_457 = arith.cmpi sgt, %jit3A_447, %sign3A_456 : i32
      %sign3A_458 = arith.extui %sign3A_457 : i1 to i32
      %sign3A_459 = arith.constant 0 : i32
      %sign3A_460 = arith.cmpi slt, %jit3A_447, %sign3A_459 : i32
      %sign3A_461 = arith.extui %sign3A_460 : i1 to i32
      %sign3A_462 = arith.subi %sign3A_458, %sign3A_461 : i32
      %ne3A_463 = arith.cmpi ne, %sign3A_455, %sign3A_462 : i32
      %rem3A_464 = arith.remsi %min3A_446, %jit3A_447 : i32
      %ne3A_465 = arith.constant 0 : i32
      %ne3A_466 = arith.cmpi ne, %rem3A_464, %ne3A_465 : i32
      %and3A_467 = arith.andi %ne3A_463, %ne3A_466 : i1
      %sub3A_468 = arith.constant 1 : i32
      %sub3A_469 = arith.subi %div3A_448, %sub3A_468 : i32
      %select_n3A_470 = arith.select %and3A_467, %sub3A_469, %div3A_448 : i32
      %jit3A_471 = arith.constant 4 : i32
      %eq3A_472 = arith.constant 0 : i32
      %eq3A_473 = arith.cmpi eq, %jit3A_471, %eq3A_472 : i32
      %jit3A_474 = arith.constant 1 : i32
      %select_n3A_475 = arith.select %eq3A_473, %jit3A_474, %jit3A_471 : i32
      %rem3A_476 = arith.remsi %min3A_446, %select_n3A_475 : i32
      %ne3A_477 = arith.constant 0 : i32
      %ne3A_478 = arith.cmpi ne, %rem3A_476, %ne3A_477 : i32
      %lt3A_479 = arith.constant 0 : i32
      %lt3A_480 = arith.cmpi slt, %rem3A_476, %lt3A_479 : i32
      %lt3A_481 = arith.constant 0 : i32
      %lt3A_482 = arith.cmpi slt, %select_n3A_475, %lt3A_481 : i32
      %ne3A_483 = arith.xori %lt3A_480, %lt3A_482 : i1
      %and3A_484 = arith.andi %ne3A_483, %ne3A_478 : i1
      %add3A_485 = arith.addi %rem3A_476, %select_n3A_475 : i32
      %select_n3A_486 = arith.select %and3A_484, %add3A_485, %rem3A_476 : i32
      %mul3A_487 = arith.constant 128 : i32
      %mul3A_488 = arith.muli %select_n3A_486, %mul3A_487 : i32
      %dma_start3A_489 = arith.constant 1 : i32
      %dma_start3A_490 = arith.constant 0 : i32
      %dma_start3A_491 = arith.constant 0 : i32
      %dma_start3A_492 = tpu.memref_slice %arg6[%dma_start3A_489, %dma_start3A_490, %dma_start3A_491] : memref<8x128x64xf32, #tpu.memory_space<vmem>> -> memref<1x128x64xf32, #tpu.memory_space<vmem>>
      %dma_start3A_493 = tpu.memref_squeeze %dma_start3A_492 : memref<1x128x64xf32, #tpu.memory_space<vmem>> -> memref<128x64xf32, #tpu.memory_space<vmem>>
      %dma_start3A_494 = tpu.memref_slice %arg5[%select_n3A_470, %mul3A_488] : memref<50x512xi32, #tpu.memory_space<vmem>> -> memref<1x128xi32, #tpu.memory_space<vmem>>
      %dma_start3A_495 = tpu.memref_squeeze %dma_start3A_494 : memref<1x128xi32, #tpu.memory_space<vmem>> -> memref<128xi32, #tpu.memory_space<vmem>>
      %dma_start3A_496 = arith.constant 0 : i32
      %dma_start3A_497 = arith.constant 0 : i32
      %dma_start3A_498 = tpu.memref_slice %arg3[%dma_start3A_496, %dma_start3A_497] : memref<1000000x64xf32, #tpu.memory_space<hbm>> -> memref<1000000x64xf32, #tpu.memory_space<hbm>>
      tpu.enqueue_indirect_dma source(%dma_start3A_498 : memref<1000000x64xf32, #tpu.memory_space<hbm>>) target(%dma_start3A_493 : memref<128x64xf32, #tpu.memory_space<vmem>>) offsets(%dma_start3A_495 : memref<128xi32, #tpu.memory_space<vmem>>) semaphore(%arg8 : memref<!tpu.dma_semaphore, #tpu.memory_space<semaphore_mem>>)
      %mul3A_499 = arith.constant 8 : i32
      %mul3A_500 = arith.muli %scan3A_198, %mul3A_499 : i32
      %add3A_501 = arith.constant 2 : i32
      %add3A_502 = arith.addi %mul3A_500, %add3A_501 : i32
      %jit3A_503 = arith.constant 4 : i32
      %div3A_504 = arith.divsi %add3A_502, %jit3A_503 : i32
      %sign3A_505 = arith.constant 0 : i32
      %sign3A_506 = arith.cmpi sgt, %add3A_502, %sign3A_505 : i32
      %sign3A_507 = arith.extui %sign3A_506 : i1 to i32
      %sign3A_508 = arith.constant 0 : i32
      %sign3A_509 = arith.cmpi slt, %add3A_502, %sign3A_508 : i32
      %sign3A_510 = arith.extui %sign3A_509 : i1 to i32
      %sign3A_511 = arith.subi %sign3A_507, %sign3A_510 : i32
      %sign3A_512 = arith.constant 0 : i32
      %sign3A_513 = arith.cmpi sgt, %jit3A_503, %sign3A_512 : i32
      %sign3A_514 = arith.extui %sign3A_513 : i1 to i32
      %sign3A_515 = arith.constant 0 : i32
      %sign3A_516 = arith.cmpi slt, %jit3A_503, %sign3A_515 : i32
      %sign3A_517 = arith.extui %sign3A_516 : i1 to i32
      %sign3A_518 = arith.subi %sign3A_514, %sign3A_517 : i32
      %ne3A_519 = arith.cmpi ne, %sign3A_511, %sign3A_518 : i32
      %rem3A_520 = arith.remsi %add3A_502, %jit3A_503 : i32
      %ne3A_521 = arith.constant 0 : i32
      %ne3A_522 = arith.cmpi ne, %rem3A_520, %ne3A_521 : i32
      %and3A_523 = arith.andi %ne3A_519, %ne3A_522 : i1
      %sub3A_524 = arith.constant 1 : i32
      %sub3A_525 = arith.subi %div3A_504, %sub3A_524 : i32
      %select_n3A_526 = arith.select %and3A_523, %sub3A_525, %div3A_504 : i32
      %jit3A_527 = arith.constant 4 : i32
      %eq3A_528 = arith.constant 0 : i32
      %eq3A_529 = arith.cmpi eq, %jit3A_527, %eq3A_528 : i32
      %jit3A_530 = arith.constant 1 : i32
      %select_n3A_531 = arith.select %eq3A_529, %jit3A_530, %jit3A_527 : i32
      %rem3A_532 = arith.remsi %add3A_502, %select_n3A_531 : i32
      %ne3A_533 = arith.constant 0 : i32
      %ne3A_534 = arith.cmpi ne, %rem3A_532, %ne3A_533 : i32
      %lt3A_535 = arith.constant 0 : i32
      %lt3A_536 = arith.cmpi slt, %rem3A_532, %lt3A_535 : i32
      %lt3A_537 = arith.constant 0 : i32
      %lt3A_538 = arith.cmpi slt, %select_n3A_531, %lt3A_537 : i32
      %ne3A_539 = arith.xori %lt3A_536, %lt3A_538 : i1
      %and3A_540 = arith.andi %ne3A_539, %ne3A_534 : i1
      %add3A_541 = arith.addi %rem3A_532, %select_n3A_531 : i32
      %select_n3A_542 = arith.select %and3A_540, %add3A_541, %rem3A_532 : i32
      %mul3A_543 = arith.constant 128 : i32
      %mul3A_544 = arith.muli %select_n3A_542, %mul3A_543 : i32
      %dma_wait3A_545 = arith.constant 2 : i32
      %dma_wait3A_546 = arith.constant 0 : i32
      %dma_wait3A_547 = arith.constant 0 : i32
      %dma_wait3A_548 = tpu.memref_slice %arg6[%dma_wait3A_545, %dma_wait3A_546, %dma_wait3A_547] : memref<8x128x64xf32, #tpu.memory_space<vmem>> -> memref<1x128x64xf32, #tpu.memory_space<vmem>>
      %dma_wait3A_549 = tpu.memref_squeeze %dma_wait3A_548 : memref<1x128x64xf32, #tpu.memory_space<vmem>> -> memref<128x64xf32, #tpu.memory_space<vmem>>
      %dma_wait3A_550 = tpu.memref_slice %arg5[%select_n3A_526, %mul3A_544] : memref<50x512xi32, #tpu.memory_space<vmem>> -> memref<1x128xi32, #tpu.memory_space<vmem>>
      %dma_wait3A_551 = tpu.memref_squeeze %dma_wait3A_550 : memref<1x128xi32, #tpu.memory_space<vmem>> -> memref<128xi32, #tpu.memory_space<vmem>>
      %dma_wait3A_552 = arith.constant 0 : i32
      %dma_wait3A_553 = arith.constant 0 : i32
      %dma_wait3A_554 = tpu.memref_slice %arg3[%dma_wait3A_552, %dma_wait3A_553] : memref<1000000x64xf32, #tpu.memory_space<hbm>> -> memref<1000000x64xf32, #tpu.memory_space<hbm>>
      tpu.wait_indirect_dma semaphore(%arg9 : memref<!tpu.dma_semaphore, #tpu.memory_space<semaphore_mem>>) src(%dma_wait3A_554 : memref<1000000x64xf32, #tpu.memory_space<hbm>>) dst(%dma_wait3A_549 : memref<128x64xf32, #tpu.memory_space<vmem>>)
      %jit3A_555 = arith.constant 4 : i32
      %div3A_556 = arith.divsi %add3A_502, %jit3A_555 : i32
      %sign3A_557 = arith.constant 0 : i32
      %sign3A_558 = arith.cmpi sgt, %add3A_502, %sign3A_557 : i32
      %sign3A_559 = arith.extui %sign3A_558 : i1 to i32
      %sign3A_560 = arith.constant 0 : i32
      %sign3A_561 = arith.cmpi slt, %add3A_502, %sign3A_560 : i32
      %sign3A_562 = arith.extui %sign3A_561 : i1 to i32
      %sign3A_563 = arith.subi %sign3A_559, %sign3A_562 : i32
      %sign3A_564 = arith.constant 0 : i32
      %sign3A_565 = arith.cmpi sgt, %jit3A_555, %sign3A_564 : i32
      %sign3A_566 = arith.extui %sign3A_565 : i1 to i32
      %sign3A_567 = arith.constant 0 : i32
      %sign3A_568 = arith.cmpi slt, %jit3A_555, %sign3A_567 : i32
      %sign3A_569 = arith.extui %sign3A_568 : i1 to i32
      %sign3A_570 = arith.subi %sign3A_566, %sign3A_569 : i32
      %ne3A_571 = arith.cmpi ne, %sign3A_563, %sign3A_570 : i32
      %rem3A_572 = arith.remsi %add3A_502, %jit3A_555 : i32
      %ne3A_573 = arith.constant 0 : i32
      %ne3A_574 = arith.cmpi ne, %rem3A_572, %ne3A_573 : i32
      %and3A_575 = arith.andi %ne3A_571, %ne3A_574 : i1
      %sub3A_576 = arith.constant 1 : i32
      %sub3A_577 = arith.subi %div3A_556, %sub3A_576 : i32
      %select_n3A_578 = arith.select %and3A_575, %sub3A_577, %div3A_556 : i32
      %jit3A_579 = arith.constant 4 : i32
      %eq3A_580 = arith.constant 0 : i32
      %eq3A_581 = arith.cmpi eq, %jit3A_579, %eq3A_580 : i32
      %jit3A_582 = arith.constant 1 : i32
      %select_n3A_583 = arith.select %eq3A_581, %jit3A_582, %jit3A_579 : i32
      %rem3A_584 = arith.remsi %add3A_502, %select_n3A_583 : i32
      %ne3A_585 = arith.constant 0 : i32
      %ne3A_586 = arith.cmpi ne, %rem3A_584, %ne3A_585 : i32
      %lt3A_587 = arith.constant 0 : i32
      %lt3A_588 = arith.cmpi slt, %rem3A_584, %lt3A_587 : i32
      %lt3A_589 = arith.constant 0 : i32
      %lt3A_590 = arith.cmpi slt, %select_n3A_583, %lt3A_589 : i32
      %ne3A_591 = arith.xori %lt3A_588, %lt3A_590 : i1
      %and3A_592 = arith.andi %ne3A_591, %ne3A_586 : i1
      %add3A_593 = arith.addi %rem3A_584, %select_n3A_583 : i32
      %select_n3A_594 = arith.select %and3A_592, %add3A_593, %rem3A_584 : i32
      %mul3A_595 = arith.constant 128 : i32
      %mul3A_596 = arith.muli %select_n3A_594, %mul3A_595 : i32
      %add3A_597 = arith.addi %mul3A_2, %mul3A_596 : i32
      %run_scoped3A_598 = arith.constant 2 : i32
      "tpu.region"() ({
        %run_scoped3A_1435 = tpu.sem_alloc : memref<!tpu.dma_semaphore, #tpu.memory_space<semaphore_mem>>
        %dma_start3A_1436 = arith.constant 0 : i32
        %dma_start3A_1437 = arith.constant 0 : i32
        %dma_start3A_1438 = tpu.memref_slice %arg6[%run_scoped3A_598, %dma_start3A_1436, %dma_start3A_1437] : memref<8x128x64xf32, #tpu.memory_space<vmem>> -> memref<1x128x64xf32, #tpu.memory_space<vmem>>
        %dma_start3A_1439 = tpu.memref_squeeze %dma_start3A_1438 : memref<1x128x64xf32, #tpu.memory_space<vmem>> -> memref<128x64xf32, #tpu.memory_space<vmem>>
        %dma_start3A_1440 = arith.constant 0 : i32
        %dma_start3A_1441 = tpu.memref_slice %arg4[%add3A_597, %select_n3A_578, %dma_start3A_1440] : memref<16384x50x64xf32, #tpu.memory_space<hbm>> -> memref<128x1x64xf32, #tpu.memory_space<hbm>>
        %dma_start3A_1442 = tpu.memref_squeeze %dma_start3A_1441 : memref<128x1x64xf32, #tpu.memory_space<hbm>> -> memref<128x64xf32, #tpu.memory_space<hbm>>
        %dma_start3A_1443 = arith.constant 0 : i32
        %dma_start3A_1444 = tpu.memref_slice %arg4[%add3A_597, %select_n3A_578, %dma_start3A_1443] : memref<16384x50x64xf32, #tpu.memory_space<hbm>> -> memref<128x1x64xf32, #tpu.memory_space<hbm>>
        %dma_start3A_1445 = tpu.memref_squeeze %dma_start3A_1444 : memref<128x1x64xf32, #tpu.memory_space<hbm>> -> memref<128x64xf32, #tpu.memory_space<hbm>>
        %dma_start3A_1446 = arith.constant 0 : i32
        %dma_start3A_1447 = arith.constant 0 : i32
        %dma_start3A_1448 = tpu.memref_slice %arg6[%run_scoped3A_598, %dma_start3A_1446, %dma_start3A_1447] : memref<8x128x64xf32, #tpu.memory_space<vmem>> -> memref<1x128x64xf32, #tpu.memory_space<vmem>>
        %dma_start3A_1449 = tpu.memref_squeeze %dma_start3A_1448 : memref<1x128x64xf32, #tpu.memory_space<vmem>> -> memref<128x64xf32, #tpu.memory_space<vmem>>
        tpu.enqueue_dma source(%dma_start3A_1449 : memref<128x64xf32, #tpu.memory_space<vmem>>) target(%dma_start3A_1445 : memref<128x64xf32, #tpu.memory_space<hbm>>) target_semaphore(%run_scoped3A_1435 : memref<!tpu.dma_semaphore, #tpu.memory_space<semaphore_mem>>)
        %dma_wait3A_1450 = arith.constant 0 : i32
        %dma_wait3A_1451 = arith.constant 0 : i32
        %dma_wait3A_1452 = tpu.memref_slice %arg6[%run_scoped3A_598, %dma_wait3A_1450, %dma_wait3A_1451] : memref<8x128x64xf32, #tpu.memory_space<vmem>> -> memref<1x128x64xf32, #tpu.memory_space<vmem>>
        %dma_wait3A_1453 = tpu.memref_squeeze %dma_wait3A_1452 : memref<1x128x64xf32, #tpu.memory_space<vmem>> -> memref<128x64xf32, #tpu.memory_space<vmem>>
        %dma_wait3A_1454 = arith.constant 0 : i32
        %dma_wait3A_1455 = tpu.memref_slice %arg4[%add3A_597, %select_n3A_578, %dma_wait3A_1454] : memref<16384x50x64xf32, #tpu.memory_space<hbm>> -> memref<128x1x64xf32, #tpu.memory_space<hbm>>
        %dma_wait3A_1456 = tpu.memref_squeeze %dma_wait3A_1455 : memref<128x1x64xf32, #tpu.memory_space<hbm>> -> memref<128x64xf32, #tpu.memory_space<hbm>>
        %dma_wait3A_1457 = arith.constant 0 : i32
        %dma_wait3A_1458 = tpu.memref_slice %arg4[%add3A_597, %select_n3A_578, %dma_wait3A_1457] : memref<16384x50x64xf32, #tpu.memory_space<hbm>> -> memref<128x1x64xf32, #tpu.memory_space<hbm>>
        %dma_wait3A_1459 = tpu.memref_squeeze %dma_wait3A_1458 : memref<128x1x64xf32, #tpu.memory_space<hbm>> -> memref<128x64xf32, #tpu.memory_space<hbm>>
        %dma_wait3A_1460 = arith.constant 0 : i32
        %dma_wait3A_1461 = arith.constant 0 : i32
        %dma_wait3A_1462 = tpu.memref_slice %arg6[%run_scoped3A_598, %dma_wait3A_1460, %dma_wait3A_1461] : memref<8x128x64xf32, #tpu.memory_space<vmem>> -> memref<1x128x64xf32, #tpu.memory_space<vmem>>
        %dma_wait3A_1463 = tpu.memref_squeeze %dma_wait3A_1462 : memref<1x128x64xf32, #tpu.memory_space<vmem>> -> memref<128x64xf32, #tpu.memory_space<vmem>>
        tpu.wait_dma2 semaphore(%run_scoped3A_1435 : memref<!tpu.dma_semaphore, #tpu.memory_space<semaphore_mem>>) src(%dma_wait3A_1463 : memref<128x64xf32, #tpu.memory_space<vmem>>) dst(%dma_wait3A_1459 : memref<128x64xf32, #tpu.memory_space<hbm>>)
        tpu.yield
      }) : () -> ()
      %add3A_599 = arith.constant 8 : i32
      %add3A_600 = arith.addi %add3A_502, %add3A_599 : i32
      %min3A_601 = arith.constant 199 : i32
      %min3A_602 = arith.minsi %add3A_600, %min3A_601 : i32
      %jit3A_603 = arith.constant 4 : i32
      %div3A_604 = arith.divsi %min3A_602, %jit3A_603 : i32
      %sign3A_605 = arith.constant 0 : i32
      %sign3A_606 = arith.cmpi sgt, %min3A_602, %sign3A_605 : i32
      %sign3A_607 = arith.extui %sign3A_606 : i1 to i32
      %sign3A_608 = arith.constant 0 : i32
      %sign3A_609 = arith.cmpi slt, %min3A_602, %sign3A_608 : i32
      %sign3A_610 = arith.extui %sign3A_609 : i1 to i32
      %sign3A_611 = arith.subi %sign3A_607, %sign3A_610 : i32
      %sign3A_612 = arith.constant 0 : i32
      %sign3A_613 = arith.cmpi sgt, %jit3A_603, %sign3A_612 : i32
      %sign3A_614 = arith.extui %sign3A_613 : i1 to i32
      %sign3A_615 = arith.constant 0 : i32
      %sign3A_616 = arith.cmpi slt, %jit3A_603, %sign3A_615 : i32
      %sign3A_617 = arith.extui %sign3A_616 : i1 to i32
      %sign3A_618 = arith.subi %sign3A_614, %sign3A_617 : i32
      %ne3A_619 = arith.cmpi ne, %sign3A_611, %sign3A_618 : i32
      %rem3A_620 = arith.remsi %min3A_602, %jit3A_603 : i32
      %ne3A_621 = arith.constant 0 : i32
      %ne3A_622 = arith.cmpi ne, %rem3A_620, %ne3A_621 : i32
      %and3A_623 = arith.andi %ne3A_619, %ne3A_622 : i1
      %sub3A_624 = arith.constant 1 : i32
      %sub3A_625 = arith.subi %div3A_604, %sub3A_624 : i32
      %select_n3A_626 = arith.select %and3A_623, %sub3A_625, %div3A_604 : i32
      %jit3A_627 = arith.constant 4 : i32
      %eq3A_628 = arith.constant 0 : i32
      %eq3A_629 = arith.cmpi eq, %jit3A_627, %eq3A_628 : i32
      %jit3A_630 = arith.constant 1 : i32
      %select_n3A_631 = arith.select %eq3A_629, %jit3A_630, %jit3A_627 : i32
      %rem3A_632 = arith.remsi %min3A_602, %select_n3A_631 : i32
      %ne3A_633 = arith.constant 0 : i32
      %ne3A_634 = arith.cmpi ne, %rem3A_632, %ne3A_633 : i32
      %lt3A_635 = arith.constant 0 : i32
      %lt3A_636 = arith.cmpi slt, %rem3A_632, %lt3A_635 : i32
      %lt3A_637 = arith.constant 0 : i32
      %lt3A_638 = arith.cmpi slt, %select_n3A_631, %lt3A_637 : i32
      %ne3A_639 = arith.xori %lt3A_636, %lt3A_638 : i1
      %and3A_640 = arith.andi %ne3A_639, %ne3A_634 : i1
      %add3A_641 = arith.addi %rem3A_632, %select_n3A_631 : i32
      %select_n3A_642 = arith.select %and3A_640, %add3A_641, %rem3A_632 : i32
      %mul3A_643 = arith.constant 128 : i32
      %mul3A_644 = arith.muli %select_n3A_642, %mul3A_643 : i32
      %dma_start3A_645 = arith.constant 2 : i32
      %dma_start3A_646 = arith.constant 0 : i32
      %dma_start3A_647 = arith.constant 0 : i32
      %dma_start3A_648 = tpu.memref_slice %arg6[%dma_start3A_645, %dma_start3A_646, %dma_start3A_647] : memref<8x128x64xf32, #tpu.memory_space<vmem>> -> memref<1x128x64xf32, #tpu.memory_space<vmem>>
      %dma_start3A_649 = tpu.memref_squeeze %dma_start3A_648 : memref<1x128x64xf32, #tpu.memory_space<vmem>> -> memref<128x64xf32, #tpu.memory_space<vmem>>
      %dma_start3A_650 = tpu.memref_slice %arg5[%select_n3A_626, %mul3A_644] : memref<50x512xi32, #tpu.memory_space<vmem>> -> memref<1x128xi32, #tpu.memory_space<vmem>>
      %dma_start3A_651 = tpu.memref_squeeze %dma_start3A_650 : memref<1x128xi32, #tpu.memory_space<vmem>> -> memref<128xi32, #tpu.memory_space<vmem>>
      %dma_start3A_652 = arith.constant 0 : i32
      %dma_start3A_653 = arith.constant 0 : i32
      %dma_start3A_654 = tpu.memref_slice %arg3[%dma_start3A_652, %dma_start3A_653] : memref<1000000x64xf32, #tpu.memory_space<hbm>> -> memref<1000000x64xf32, #tpu.memory_space<hbm>>
      tpu.enqueue_indirect_dma source(%dma_start3A_654 : memref<1000000x64xf32, #tpu.memory_space<hbm>>) target(%dma_start3A_649 : memref<128x64xf32, #tpu.memory_space<vmem>>) offsets(%dma_start3A_651 : memref<128xi32, #tpu.memory_space<vmem>>) semaphore(%arg9 : memref<!tpu.dma_semaphore, #tpu.memory_space<semaphore_mem>>)
      %mul3A_655 = arith.constant 8 : i32
      %mul3A_656 = arith.muli %scan3A_198, %mul3A_655 : i32
      %add3A_657 = arith.constant 3 : i32
      %add3A_658 = arith.addi %mul3A_656, %add3A_657 : i32
      %jit3A_659 = arith.constant 4 : i32
      %div3A_660 = arith.divsi %add3A_658, %jit3A_659 : i32
      %sign3A_661 = arith.constant 0 : i32
      %sign3A_662 = arith.cmpi sgt, %add3A_658, %sign3A_661 : i32
      %sign3A_663 = arith.extui %sign3A_662 : i1 to i32
      %sign3A_664 = arith.constant 0 : i32
      %sign3A_665 = arith.cmpi slt, %add3A_658, %sign3A_664 : i32
      %sign3A_666 = arith.extui %sign3A_665 : i1 to i32
      %sign3A_667 = arith.subi %sign3A_663, %sign3A_666 : i32
      %sign3A_668 = arith.constant 0 : i32
      %sign3A_669 = arith.cmpi sgt, %jit3A_659, %sign3A_668 : i32
      %sign3A_670 = arith.extui %sign3A_669 : i1 to i32
      %sign3A_671 = arith.constant 0 : i32
      %sign3A_672 = arith.cmpi slt, %jit3A_659, %sign3A_671 : i32
      %sign3A_673 = arith.extui %sign3A_672 : i1 to i32
      %sign3A_674 = arith.subi %sign3A_670, %sign3A_673 : i32
      %ne3A_675 = arith.cmpi ne, %sign3A_667, %sign3A_674 : i32
      %rem3A_676 = arith.remsi %add3A_658, %jit3A_659 : i32
      %ne3A_677 = arith.constant 0 : i32
      %ne3A_678 = arith.cmpi ne, %rem3A_676, %ne3A_677 : i32
      %and3A_679 = arith.andi %ne3A_675, %ne3A_678 : i1
      %sub3A_680 = arith.constant 1 : i32
      %sub3A_681 = arith.subi %div3A_660, %sub3A_680 : i32
      %select_n3A_682 = arith.select %and3A_679, %sub3A_681, %div3A_660 : i32
      %jit3A_683 = arith.constant 4 : i32
      %eq3A_684 = arith.constant 0 : i32
      %eq3A_685 = arith.cmpi eq, %jit3A_683, %eq3A_684 : i32
      %jit3A_686 = arith.constant 1 : i32
      %select_n3A_687 = arith.select %eq3A_685, %jit3A_686, %jit3A_683 : i32
      %rem3A_688 = arith.remsi %add3A_658, %select_n3A_687 : i32
      %ne3A_689 = arith.constant 0 : i32
      %ne3A_690 = arith.cmpi ne, %rem3A_688, %ne3A_689 : i32
      %lt3A_691 = arith.constant 0 : i32
      %lt3A_692 = arith.cmpi slt, %rem3A_688, %lt3A_691 : i32
      %lt3A_693 = arith.constant 0 : i32
      %lt3A_694 = arith.cmpi slt, %select_n3A_687, %lt3A_693 : i32
      %ne3A_695 = arith.xori %lt3A_692, %lt3A_694 : i1
      %and3A_696 = arith.andi %ne3A_695, %ne3A_690 : i1
      %add3A_697 = arith.addi %rem3A_688, %select_n3A_687 : i32
      %select_n3A_698 = arith.select %and3A_696, %add3A_697, %rem3A_688 : i32
      %mul3A_699 = arith.constant 128 : i32
      %mul3A_700 = arith.muli %select_n3A_698, %mul3A_699 : i32
      %dma_wait3A_701 = arith.constant 3 : i32
      %dma_wait3A_702 = arith.constant 0 : i32
      %dma_wait3A_703 = arith.constant 0 : i32
      %dma_wait3A_704 = tpu.memref_slice %arg6[%dma_wait3A_701, %dma_wait3A_702, %dma_wait3A_703] : memref<8x128x64xf32, #tpu.memory_space<vmem>> -> memref<1x128x64xf32, #tpu.memory_space<vmem>>
      %dma_wait3A_705 = tpu.memref_squeeze %dma_wait3A_704 : memref<1x128x64xf32, #tpu.memory_space<vmem>> -> memref<128x64xf32, #tpu.memory_space<vmem>>
      %dma_wait3A_706 = tpu.memref_slice %arg5[%select_n3A_682, %mul3A_700] : memref<50x512xi32, #tpu.memory_space<vmem>> -> memref<1x128xi32, #tpu.memory_space<vmem>>
      %dma_wait3A_707 = tpu.memref_squeeze %dma_wait3A_706 : memref<1x128xi32, #tpu.memory_space<vmem>> -> memref<128xi32, #tpu.memory_space<vmem>>
      %dma_wait3A_708 = arith.constant 0 : i32
      %dma_wait3A_709 = arith.constant 0 : i32
      %dma_wait3A_710 = tpu.memref_slice %arg3[%dma_wait3A_708, %dma_wait3A_709] : memref<1000000x64xf32, #tpu.memory_space<hbm>> -> memref<1000000x64xf32, #tpu.memory_space<hbm>>
      tpu.wait_indirect_dma semaphore(%arg10 : memref<!tpu.dma_semaphore, #tpu.memory_space<semaphore_mem>>) src(%dma_wait3A_710 : memref<1000000x64xf32, #tpu.memory_space<hbm>>) dst(%dma_wait3A_705 : memref<128x64xf32, #tpu.memory_space<vmem>>)
      %jit3A_711 = arith.constant 4 : i32
      %div3A_712 = arith.divsi %add3A_658, %jit3A_711 : i32
      %sign3A_713 = arith.constant 0 : i32
      %sign3A_714 = arith.cmpi sgt, %add3A_658, %sign3A_713 : i32
      %sign3A_715 = arith.extui %sign3A_714 : i1 to i32
      %sign3A_716 = arith.constant 0 : i32
      %sign3A_717 = arith.cmpi slt, %add3A_658, %sign3A_716 : i32
      %sign3A_718 = arith.extui %sign3A_717 : i1 to i32
      %sign3A_719 = arith.subi %sign3A_715, %sign3A_718 : i32
      %sign3A_720 = arith.constant 0 : i32
      %sign3A_721 = arith.cmpi sgt, %jit3A_711, %sign3A_720 : i32
      %sign3A_722 = arith.extui %sign3A_721 : i1 to i32
      %sign3A_723 = arith.constant 0 : i32
      %sign3A_724 = arith.cmpi slt, %jit3A_711, %sign3A_723 : i32
      %sign3A_725 = arith.extui %sign3A_724 : i1 to i32
      %sign3A_726 = arith.subi %sign3A_722, %sign3A_725 : i32
      %ne3A_727 = arith.cmpi ne, %sign3A_719, %sign3A_726 : i32
      %rem3A_728 = arith.remsi %add3A_658, %jit3A_711 : i32
      %ne3A_729 = arith.constant 0 : i32
      %ne3A_730 = arith.cmpi ne, %rem3A_728, %ne3A_729 : i32
      %and3A_731 = arith.andi %ne3A_727, %ne3A_730 : i1
      %sub3A_732 = arith.constant 1 : i32
      %sub3A_733 = arith.subi %div3A_712, %sub3A_732 : i32
      %select_n3A_734 = arith.select %and3A_731, %sub3A_733, %div3A_712 : i32
      %jit3A_735 = arith.constant 4 : i32
      %eq3A_736 = arith.constant 0 : i32
      %eq3A_737 = arith.cmpi eq, %jit3A_735, %eq3A_736 : i32
      %jit3A_738 = arith.constant 1 : i32
      %select_n3A_739 = arith.select %eq3A_737, %jit3A_738, %jit3A_735 : i32
      %rem3A_740 = arith.remsi %add3A_658, %select_n3A_739 : i32
      %ne3A_741 = arith.constant 0 : i32
      %ne3A_742 = arith.cmpi ne, %rem3A_740, %ne3A_741 : i32
      %lt3A_743 = arith.constant 0 : i32
      %lt3A_744 = arith.cmpi slt, %rem3A_740, %lt3A_743 : i32
      %lt3A_745 = arith.constant 0 : i32
      %lt3A_746 = arith.cmpi slt, %select_n3A_739, %lt3A_745 : i32
      %ne3A_747 = arith.xori %lt3A_744, %lt3A_746 : i1
      %and3A_748 = arith.andi %ne3A_747, %ne3A_742 : i1
      %add3A_749 = arith.addi %rem3A_740, %select_n3A_739 : i32
      %select_n3A_750 = arith.select %and3A_748, %add3A_749, %rem3A_740 : i32
      %mul3A_751 = arith.constant 128 : i32
      %mul3A_752 = arith.muli %select_n3A_750, %mul3A_751 : i32
      %add3A_753 = arith.addi %mul3A_2, %mul3A_752 : i32
      %run_scoped3A_754 = arith.constant 3 : i32
      "tpu.region"() ({
        %run_scoped3A_1435 = tpu.sem_alloc : memref<!tpu.dma_semaphore, #tpu.memory_space<semaphore_mem>>
        %dma_start3A_1436 = arith.constant 0 : i32
        %dma_start3A_1437 = arith.constant 0 : i32
        %dma_start3A_1438 = tpu.memref_slice %arg6[%run_scoped3A_754, %dma_start3A_1436, %dma_start3A_1437] : memref<8x128x64xf32, #tpu.memory_space<vmem>> -> memref<1x128x64xf32, #tpu.memory_space<vmem>>
        %dma_start3A_1439 = tpu.memref_squeeze %dma_start3A_1438 : memref<1x128x64xf32, #tpu.memory_space<vmem>> -> memref<128x64xf32, #tpu.memory_space<vmem>>
        %dma_start3A_1440 = arith.constant 0 : i32
        %dma_start3A_1441 = tpu.memref_slice %arg4[%add3A_753, %select_n3A_734, %dma_start3A_1440] : memref<16384x50x64xf32, #tpu.memory_space<hbm>> -> memref<128x1x64xf32, #tpu.memory_space<hbm>>
        %dma_start3A_1442 = tpu.memref_squeeze %dma_start3A_1441 : memref<128x1x64xf32, #tpu.memory_space<hbm>> -> memref<128x64xf32, #tpu.memory_space<hbm>>
        %dma_start3A_1443 = arith.constant 0 : i32
        %dma_start3A_1444 = tpu.memref_slice %arg4[%add3A_753, %select_n3A_734, %dma_start3A_1443] : memref<16384x50x64xf32, #tpu.memory_space<hbm>> -> memref<128x1x64xf32, #tpu.memory_space<hbm>>
        %dma_start3A_1445 = tpu.memref_squeeze %dma_start3A_1444 : memref<128x1x64xf32, #tpu.memory_space<hbm>> -> memref<128x64xf32, #tpu.memory_space<hbm>>
        %dma_start3A_1446 = arith.constant 0 : i32
        %dma_start3A_1447 = arith.constant 0 : i32
        %dma_start3A_1448 = tpu.memref_slice %arg6[%run_scoped3A_754, %dma_start3A_1446, %dma_start3A_1447] : memref<8x128x64xf32, #tpu.memory_space<vmem>> -> memref<1x128x64xf32, #tpu.memory_space<vmem>>
        %dma_start3A_1449 = tpu.memref_squeeze %dma_start3A_1448 : memref<1x128x64xf32, #tpu.memory_space<vmem>> -> memref<128x64xf32, #tpu.memory_space<vmem>>
        tpu.enqueue_dma source(%dma_start3A_1449 : memref<128x64xf32, #tpu.memory_space<vmem>>) target(%dma_start3A_1445 : memref<128x64xf32, #tpu.memory_space<hbm>>) target_semaphore(%run_scoped3A_1435 : memref<!tpu.dma_semaphore, #tpu.memory_space<semaphore_mem>>)
        %dma_wait3A_1450 = arith.constant 0 : i32
        %dma_wait3A_1451 = arith.constant 0 : i32
        %dma_wait3A_1452 = tpu.memref_slice %arg6[%run_scoped3A_754, %dma_wait3A_1450, %dma_wait3A_1451] : memref<8x128x64xf32, #tpu.memory_space<vmem>> -> memref<1x128x64xf32, #tpu.memory_space<vmem>>
        %dma_wait3A_1453 = tpu.memref_squeeze %dma_wait3A_1452 : memref<1x128x64xf32, #tpu.memory_space<vmem>> -> memref<128x64xf32, #tpu.memory_space<vmem>>
        %dma_wait3A_1454 = arith.constant 0 : i32
        %dma_wait3A_1455 = tpu.memref_slice %arg4[%add3A_753, %select_n3A_734, %dma_wait3A_1454] : memref<16384x50x64xf32, #tpu.memory_space<hbm>> -> memref<128x1x64xf32, #tpu.memory_space<hbm>>
        %dma_wait3A_1456 = tpu.memref_squeeze %dma_wait3A_1455 : memref<128x1x64xf32, #tpu.memory_space<hbm>> -> memref<128x64xf32, #tpu.memory_space<hbm>>
        %dma_wait3A_1457 = arith.constant 0 : i32
        %dma_wait3A_1458 = tpu.memref_slice %arg4[%add3A_753, %select_n3A_734, %dma_wait3A_1457] : memref<16384x50x64xf32, #tpu.memory_space<hbm>> -> memref<128x1x64xf32, #tpu.memory_space<hbm>>
        %dma_wait3A_1459 = tpu.memref_squeeze %dma_wait3A_1458 : memref<128x1x64xf32, #tpu.memory_space<hbm>> -> memref<128x64xf32, #tpu.memory_space<hbm>>
        %dma_wait3A_1460 = arith.constant 0 : i32
        %dma_wait3A_1461 = arith.constant 0 : i32
        %dma_wait3A_1462 = tpu.memref_slice %arg6[%run_scoped3A_754, %dma_wait3A_1460, %dma_wait3A_1461] : memref<8x128x64xf32, #tpu.memory_space<vmem>> -> memref<1x128x64xf32, #tpu.memory_space<vmem>>
        %dma_wait3A_1463 = tpu.memref_squeeze %dma_wait3A_1462 : memref<1x128x64xf32, #tpu.memory_space<vmem>> -> memref<128x64xf32, #tpu.memory_space<vmem>>
        tpu.wait_dma2 semaphore(%run_scoped3A_1435 : memref<!tpu.dma_semaphore, #tpu.memory_space<semaphore_mem>>) src(%dma_wait3A_1463 : memref<128x64xf32, #tpu.memory_space<vmem>>) dst(%dma_wait3A_1459 : memref<128x64xf32, #tpu.memory_space<hbm>>)
        tpu.yield
      }) : () -> ()
      %add3A_755 = arith.constant 8 : i32
      %add3A_756 = arith.addi %add3A_658, %add3A_755 : i32
      %min3A_757 = arith.constant 199 : i32
      %min3A_758 = arith.minsi %add3A_756, %min3A_757 : i32
      %jit3A_759 = arith.constant 4 : i32
      %div3A_760 = arith.divsi %min3A_758, %jit3A_759 : i32
      %sign3A_761 = arith.constant 0 : i32
      %sign3A_762 = arith.cmpi sgt, %min3A_758, %sign3A_761 : i32
      %sign3A_763 = arith.extui %sign3A_762 : i1 to i32
      %sign3A_764 = arith.constant 0 : i32
      %sign3A_765 = arith.cmpi slt, %min3A_758, %sign3A_764 : i32
      %sign3A_766 = arith.extui %sign3A_765 : i1 to i32
      %sign3A_767 = arith.subi %sign3A_763, %sign3A_766 : i32
      %sign3A_768 = arith.constant 0 : i32
      %sign3A_769 = arith.cmpi sgt, %jit3A_759, %sign3A_768 : i32
      %sign3A_770 = arith.extui %sign3A_769 : i1 to i32
      %sign3A_771 = arith.constant 0 : i32
      %sign3A_772 = arith.cmpi slt, %jit3A_759, %sign3A_771 : i32
      %sign3A_773 = arith.extui %sign3A_772 : i1 to i32
      %sign3A_774 = arith.subi %sign3A_770, %sign3A_773 : i32
      %ne3A_775 = arith.cmpi ne, %sign3A_767, %sign3A_774 : i32
      %rem3A_776 = arith.remsi %min3A_758, %jit3A_759 : i32
      %ne3A_777 = arith.constant 0 : i32
      %ne3A_778 = arith.cmpi ne, %rem3A_776, %ne3A_777 : i32
      %and3A_779 = arith.andi %ne3A_775, %ne3A_778 : i1
      %sub3A_780 = arith.constant 1 : i32
      %sub3A_781 = arith.subi %div3A_760, %sub3A_780 : i32
      %select_n3A_782 = arith.select %and3A_779, %sub3A_781, %div3A_760 : i32
      %jit3A_783 = arith.constant 4 : i32
      %eq3A_784 = arith.constant 0 : i32
      %eq3A_785 = arith.cmpi eq, %jit3A_783, %eq3A_784 : i32
      %jit3A_786 = arith.constant 1 : i32
      %select_n3A_787 = arith.select %eq3A_785, %jit3A_786, %jit3A_783 : i32
      %rem3A_788 = arith.remsi %min3A_758, %select_n3A_787 : i32
      %ne3A_789 = arith.constant 0 : i32
      %ne3A_790 = arith.cmpi ne, %rem3A_788, %ne3A_789 : i32
      %lt3A_791 = arith.constant 0 : i32
      %lt3A_792 = arith.cmpi slt, %rem3A_788, %lt3A_791 : i32
      %lt3A_793 = arith.constant 0 : i32
      %lt3A_794 = arith.cmpi slt, %select_n3A_787, %lt3A_793 : i32
      %ne3A_795 = arith.xori %lt3A_792, %lt3A_794 : i1
      %and3A_796 = arith.andi %ne3A_795, %ne3A_790 : i1
      %add3A_797 = arith.addi %rem3A_788, %select_n3A_787 : i32
      %select_n3A_798 = arith.select %and3A_796, %add3A_797, %rem3A_788 : i32
      %mul3A_799 = arith.constant 128 : i32
      %mul3A_800 = arith.muli %select_n3A_798, %mul3A_799 : i32
      %dma_start3A_801 = arith.constant 3 : i32
      %dma_start3A_802 = arith.constant 0 : i32
      %dma_start3A_803 = arith.constant 0 : i32
      %dma_start3A_804 = tpu.memref_slice %arg6[%dma_start3A_801, %dma_start3A_802, %dma_start3A_803] : memref<8x128x64xf32, #tpu.memory_space<vmem>> -> memref<1x128x64xf32, #tpu.memory_space<vmem>>
      %dma_start3A_805 = tpu.memref_squeeze %dma_start3A_804 : memref<1x128x64xf32, #tpu.memory_space<vmem>> -> memref<128x64xf32, #tpu.memory_space<vmem>>
      %dma_start3A_806 = tpu.memref_slice %arg5[%select_n3A_782, %mul3A_800] : memref<50x512xi32, #tpu.memory_space<vmem>> -> memref<1x128xi32, #tpu.memory_space<vmem>>
      %dma_start3A_807 = tpu.memref_squeeze %dma_start3A_806 : memref<1x128xi32, #tpu.memory_space<vmem>> -> memref<128xi32, #tpu.memory_space<vmem>>
      %dma_start3A_808 = arith.constant 0 : i32
      %dma_start3A_809 = arith.constant 0 : i32
      %dma_start3A_810 = tpu.memref_slice %arg3[%dma_start3A_808, %dma_start3A_809] : memref<1000000x64xf32, #tpu.memory_space<hbm>> -> memref<1000000x64xf32, #tpu.memory_space<hbm>>
      tpu.enqueue_indirect_dma source(%dma_start3A_810 : memref<1000000x64xf32, #tpu.memory_space<hbm>>) target(%dma_start3A_805 : memref<128x64xf32, #tpu.memory_space<vmem>>) offsets(%dma_start3A_807 : memref<128xi32, #tpu.memory_space<vmem>>) semaphore(%arg10 : memref<!tpu.dma_semaphore, #tpu.memory_space<semaphore_mem>>)
      %mul3A_811 = arith.constant 8 : i32
      %mul3A_812 = arith.muli %scan3A_198, %mul3A_811 : i32
      %add3A_813 = arith.constant 4 : i32
      %add3A_814 = arith.addi %mul3A_812, %add3A_813 : i32
      %jit3A_815 = arith.constant 4 : i32
      %div3A_816 = arith.divsi %add3A_814, %jit3A_815 : i32
      %sign3A_817 = arith.constant 0 : i32
      %sign3A_818 = arith.cmpi sgt, %add3A_814, %sign3A_817 : i32
      %sign3A_819 = arith.extui %sign3A_818 : i1 to i32
      %sign3A_820 = arith.constant 0 : i32
      %sign3A_821 = arith.cmpi slt, %add3A_814, %sign3A_820 : i32
      %sign3A_822 = arith.extui %sign3A_821 : i1 to i32
      %sign3A_823 = arith.subi %sign3A_819, %sign3A_822 : i32
      %sign3A_824 = arith.constant 0 : i32
      %sign3A_825 = arith.cmpi sgt, %jit3A_815, %sign3A_824 : i32
      %sign3A_826 = arith.extui %sign3A_825 : i1 to i32
      %sign3A_827 = arith.constant 0 : i32
      %sign3A_828 = arith.cmpi slt, %jit3A_815, %sign3A_827 : i32
      %sign3A_829 = arith.extui %sign3A_828 : i1 to i32
      %sign3A_830 = arith.subi %sign3A_826, %sign3A_829 : i32
      %ne3A_831 = arith.cmpi ne, %sign3A_823, %sign3A_830 : i32
      %rem3A_832 = arith.remsi %add3A_814, %jit3A_815 : i32
      %ne3A_833 = arith.constant 0 : i32
      %ne3A_834 = arith.cmpi ne, %rem3A_832, %ne3A_833 : i32
      %and3A_835 = arith.andi %ne3A_831, %ne3A_834 : i1
      %sub3A_836 = arith.constant 1 : i32
      %sub3A_837 = arith.subi %div3A_816, %sub3A_836 : i32
      %select_n3A_838 = arith.select %and3A_835, %sub3A_837, %div3A_816 : i32
      %jit3A_839 = arith.constant 4 : i32
      %eq3A_840 = arith.constant 0 : i32
      %eq3A_841 = arith.cmpi eq, %jit3A_839, %eq3A_840 : i32
      %jit3A_842 = arith.constant 1 : i32
      %select_n3A_843 = arith.select %eq3A_841, %jit3A_842, %jit3A_839 : i32
      %rem3A_844 = arith.remsi %add3A_814, %select_n3A_843 : i32
      %ne3A_845 = arith.constant 0 : i32
      %ne3A_846 = arith.cmpi ne, %rem3A_844, %ne3A_845 : i32
      %lt3A_847 = arith.constant 0 : i32
      %lt3A_848 = arith.cmpi slt, %rem3A_844, %lt3A_847 : i32
      %lt3A_849 = arith.constant 0 : i32
      %lt3A_850 = arith.cmpi slt, %select_n3A_843, %lt3A_849 : i32
      %ne3A_851 = arith.xori %lt3A_848, %lt3A_850 : i1
      %and3A_852 = arith.andi %ne3A_851, %ne3A_846 : i1
      %add3A_853 = arith.addi %rem3A_844, %select_n3A_843 : i32
      %select_n3A_854 = arith.select %and3A_852, %add3A_853, %rem3A_844 : i32
      %mul3A_855 = arith.constant 128 : i32
      %mul3A_856 = arith.muli %select_n3A_854, %mul3A_855 : i32
      %dma_wait3A_857 = arith.constant 4 : i32
      %dma_wait3A_858 = arith.constant 0 : i32
      %dma_wait3A_859 = arith.constant 0 : i32
      %dma_wait3A_860 = tpu.memref_slice %arg6[%dma_wait3A_857, %dma_wait3A_858, %dma_wait3A_859] : memref<8x128x64xf32, #tpu.memory_space<vmem>> -> memref<1x128x64xf32, #tpu.memory_space<vmem>>
      %dma_wait3A_861 = tpu.memref_squeeze %dma_wait3A_860 : memref<1x128x64xf32, #tpu.memory_space<vmem>> -> memref<128x64xf32, #tpu.memory_space<vmem>>
      %dma_wait3A_862 = tpu.memref_slice %arg5[%select_n3A_838, %mul3A_856] : memref<50x512xi32, #tpu.memory_space<vmem>> -> memref<1x128xi32, #tpu.memory_space<vmem>>
      %dma_wait3A_863 = tpu.memref_squeeze %dma_wait3A_862 : memref<1x128xi32, #tpu.memory_space<vmem>> -> memref<128xi32, #tpu.memory_space<vmem>>
      %dma_wait3A_864 = arith.constant 0 : i32
      %dma_wait3A_865 = arith.constant 0 : i32
      %dma_wait3A_866 = tpu.memref_slice %arg3[%dma_wait3A_864, %dma_wait3A_865] : memref<1000000x64xf32, #tpu.memory_space<hbm>> -> memref<1000000x64xf32, #tpu.memory_space<hbm>>
      tpu.wait_indirect_dma semaphore(%arg11 : memref<!tpu.dma_semaphore, #tpu.memory_space<semaphore_mem>>) src(%dma_wait3A_866 : memref<1000000x64xf32, #tpu.memory_space<hbm>>) dst(%dma_wait3A_861 : memref<128x64xf32, #tpu.memory_space<vmem>>)
      %jit3A_867 = arith.constant 4 : i32
      %div3A_868 = arith.divsi %add3A_814, %jit3A_867 : i32
      %sign3A_869 = arith.constant 0 : i32
      %sign3A_870 = arith.cmpi sgt, %add3A_814, %sign3A_869 : i32
      %sign3A_871 = arith.extui %sign3A_870 : i1 to i32
      %sign3A_872 = arith.constant 0 : i32
      %sign3A_873 = arith.cmpi slt, %add3A_814, %sign3A_872 : i32
      %sign3A_874 = arith.extui %sign3A_873 : i1 to i32
      %sign3A_875 = arith.subi %sign3A_871, %sign3A_874 : i32
      %sign3A_876 = arith.constant 0 : i32
      %sign3A_877 = arith.cmpi sgt, %jit3A_867, %sign3A_876 : i32
      %sign3A_878 = arith.extui %sign3A_877 : i1 to i32
      %sign3A_879 = arith.constant 0 : i32
      %sign3A_880 = arith.cmpi slt, %jit3A_867, %sign3A_879 : i32
      %sign3A_881 = arith.extui %sign3A_880 : i1 to i32
      %sign3A_882 = arith.subi %sign3A_878, %sign3A_881 : i32
      %ne3A_883 = arith.cmpi ne, %sign3A_875, %sign3A_882 : i32
      %rem3A_884 = arith.remsi %add3A_814, %jit3A_867 : i32
      %ne3A_885 = arith.constant 0 : i32
      %ne3A_886 = arith.cmpi ne, %rem3A_884, %ne3A_885 : i32
      %and3A_887 = arith.andi %ne3A_883, %ne3A_886 : i1
      %sub3A_888 = arith.constant 1 : i32
      %sub3A_889 = arith.subi %div3A_868, %sub3A_888 : i32
      %select_n3A_890 = arith.select %and3A_887, %sub3A_889, %div3A_868 : i32
      %jit3A_891 = arith.constant 4 : i32
      %eq3A_892 = arith.constant 0 : i32
      %eq3A_893 = arith.cmpi eq, %jit3A_891, %eq3A_892 : i32
      %jit3A_894 = arith.constant 1 : i32
      %select_n3A_895 = arith.select %eq3A_893, %jit3A_894, %jit3A_891 : i32
      %rem3A_896 = arith.remsi %add3A_814, %select_n3A_895 : i32
      %ne3A_897 = arith.constant 0 : i32
      %ne3A_898 = arith.cmpi ne, %rem3A_896, %ne3A_897 : i32
      %lt3A_899 = arith.constant 0 : i32
      %lt3A_900 = arith.cmpi slt, %rem3A_896, %lt3A_899 : i32
      %lt3A_901 = arith.constant 0 : i32
      %lt3A_902 = arith.cmpi slt, %select_n3A_895, %lt3A_901 : i32
      %ne3A_903 = arith.xori %lt3A_900, %lt3A_902 : i1
      %and3A_904 = arith.andi %ne3A_903, %ne3A_898 : i1
      %add3A_905 = arith.addi %rem3A_896, %select_n3A_895 : i32
      %select_n3A_906 = arith.select %and3A_904, %add3A_905, %rem3A_896 : i32
      %mul3A_907 = arith.constant 128 : i32
      %mul3A_908 = arith.muli %select_n3A_906, %mul3A_907 : i32
      %add3A_909 = arith.addi %mul3A_2, %mul3A_908 : i32
      %run_scoped3A_910 = arith.constant 4 : i32
      "tpu.region"() ({
        %run_scoped3A_1435 = tpu.sem_alloc : memref<!tpu.dma_semaphore, #tpu.memory_space<semaphore_mem>>
        %dma_start3A_1436 = arith.constant 0 : i32
        %dma_start3A_1437 = arith.constant 0 : i32
        %dma_start3A_1438 = tpu.memref_slice %arg6[%run_scoped3A_910, %dma_start3A_1436, %dma_start3A_1437] : memref<8x128x64xf32, #tpu.memory_space<vmem>> -> memref<1x128x64xf32, #tpu.memory_space<vmem>>
        %dma_start3A_1439 = tpu.memref_squeeze %dma_start3A_1438 : memref<1x128x64xf32, #tpu.memory_space<vmem>> -> memref<128x64xf32, #tpu.memory_space<vmem>>
        %dma_start3A_1440 = arith.constant 0 : i32
        %dma_start3A_1441 = tpu.memref_slice %arg4[%add3A_909, %select_n3A_890, %dma_start3A_1440] : memref<16384x50x64xf32, #tpu.memory_space<hbm>> -> memref<128x1x64xf32, #tpu.memory_space<hbm>>
        %dma_start3A_1442 = tpu.memref_squeeze %dma_start3A_1441 : memref<128x1x64xf32, #tpu.memory_space<hbm>> -> memref<128x64xf32, #tpu.memory_space<hbm>>
        %dma_start3A_1443 = arith.constant 0 : i32
        %dma_start3A_1444 = tpu.memref_slice %arg4[%add3A_909, %select_n3A_890, %dma_start3A_1443] : memref<16384x50x64xf32, #tpu.memory_space<hbm>> -> memref<128x1x64xf32, #tpu.memory_space<hbm>>
        %dma_start3A_1445 = tpu.memref_squeeze %dma_start3A_1444 : memref<128x1x64xf32, #tpu.memory_space<hbm>> -> memref<128x64xf32, #tpu.memory_space<hbm>>
        %dma_start3A_1446 = arith.constant 0 : i32
        %dma_start3A_1447 = arith.constant 0 : i32
        %dma_start3A_1448 = tpu.memref_slice %arg6[%run_scoped3A_910, %dma_start3A_1446, %dma_start3A_1447] : memref<8x128x64xf32, #tpu.memory_space<vmem>> -> memref<1x128x64xf32, #tpu.memory_space<vmem>>
        %dma_start3A_1449 = tpu.memref_squeeze %dma_start3A_1448 : memref<1x128x64xf32, #tpu.memory_space<vmem>> -> memref<128x64xf32, #tpu.memory_space<vmem>>
        tpu.enqueue_dma source(%dma_start3A_1449 : memref<128x64xf32, #tpu.memory_space<vmem>>) target(%dma_start3A_1445 : memref<128x64xf32, #tpu.memory_space<hbm>>) target_semaphore(%run_scoped3A_1435 : memref<!tpu.dma_semaphore, #tpu.memory_space<semaphore_mem>>)
        %dma_wait3A_1450 = arith.constant 0 : i32
        %dma_wait3A_1451 = arith.constant 0 : i32
        %dma_wait3A_1452 = tpu.memref_slice %arg6[%run_scoped3A_910, %dma_wait3A_1450, %dma_wait3A_1451] : memref<8x128x64xf32, #tpu.memory_space<vmem>> -> memref<1x128x64xf32, #tpu.memory_space<vmem>>
        %dma_wait3A_1453 = tpu.memref_squeeze %dma_wait3A_1452 : memref<1x128x64xf32, #tpu.memory_space<vmem>> -> memref<128x64xf32, #tpu.memory_space<vmem>>
        %dma_wait3A_1454 = arith.constant 0 : i32
        %dma_wait3A_1455 = tpu.memref_slice %arg4[%add3A_909, %select_n3A_890, %dma_wait3A_1454] : memref<16384x50x64xf32, #tpu.memory_space<hbm>> -> memref<128x1x64xf32, #tpu.memory_space<hbm>>
        %dma_wait3A_1456 = tpu.memref_squeeze %dma_wait3A_1455 : memref<128x1x64xf32, #tpu.memory_space<hbm>> -> memref<128x64xf32, #tpu.memory_space<hbm>>
        %dma_wait3A_1457 = arith.constant 0 : i32
        %dma_wait3A_1458 = tpu.memref_slice %arg4[%add3A_909, %select_n3A_890, %dma_wait3A_1457] : memref<16384x50x64xf32, #tpu.memory_space<hbm>> -> memref<128x1x64xf32, #tpu.memory_space<hbm>>
        %dma_wait3A_1459 = tpu.memref_squeeze %dma_wait3A_1458 : memref<128x1x64xf32, #tpu.memory_space<hbm>> -> memref<128x64xf32, #tpu.memory_space<hbm>>
        %dma_wait3A_1460 = arith.constant 0 : i32
        %dma_wait3A_1461 = arith.constant 0 : i32
        %dma_wait3A_1462 = tpu.memref_slice %arg6[%run_scoped3A_910, %dma_wait3A_1460, %dma_wait3A_1461] : memref<8x128x64xf32, #tpu.memory_space<vmem>> -> memref<1x128x64xf32, #tpu.memory_space<vmem>>
        %dma_wait3A_1463 = tpu.memref_squeeze %dma_wait3A_1462 : memref<1x128x64xf32, #tpu.memory_space<vmem>> -> memref<128x64xf32, #tpu.memory_space<vmem>>
        tpu.wait_dma2 semaphore(%run_scoped3A_1435 : memref<!tpu.dma_semaphore, #tpu.memory_space<semaphore_mem>>) src(%dma_wait3A_1463 : memref<128x64xf32, #tpu.memory_space<vmem>>) dst(%dma_wait3A_1459 : memref<128x64xf32, #tpu.memory_space<hbm>>)
        tpu.yield
      }) : () -> ()
      %add3A_911 = arith.constant 8 : i32
      %add3A_912 = arith.addi %add3A_814, %add3A_911 : i32
      %min3A_913 = arith.constant 199 : i32
      %min3A_914 = arith.minsi %add3A_912, %min3A_913 : i32
      %jit3A_915 = arith.constant 4 : i32
      %div3A_916 = arith.divsi %min3A_914, %jit3A_915 : i32
      %sign3A_917 = arith.constant 0 : i32
      %sign3A_918 = arith.cmpi sgt, %min3A_914, %sign3A_917 : i32
      %sign3A_919 = arith.extui %sign3A_918 : i1 to i32
      %sign3A_920 = arith.constant 0 : i32
      %sign3A_921 = arith.cmpi slt, %min3A_914, %sign3A_920 : i32
      %sign3A_922 = arith.extui %sign3A_921 : i1 to i32
      %sign3A_923 = arith.subi %sign3A_919, %sign3A_922 : i32
      %sign3A_924 = arith.constant 0 : i32
      %sign3A_925 = arith.cmpi sgt, %jit3A_915, %sign3A_924 : i32
      %sign3A_926 = arith.extui %sign3A_925 : i1 to i32
      %sign3A_927 = arith.constant 0 : i32
      %sign3A_928 = arith.cmpi slt, %jit3A_915, %sign3A_927 : i32
      %sign3A_929 = arith.extui %sign3A_928 : i1 to i32
      %sign3A_930 = arith.subi %sign3A_926, %sign3A_929 : i32
      %ne3A_931 = arith.cmpi ne, %sign3A_923, %sign3A_930 : i32
      %rem3A_932 = arith.remsi %min3A_914, %jit3A_915 : i32
      %ne3A_933 = arith.constant 0 : i32
      %ne3A_934 = arith.cmpi ne, %rem3A_932, %ne3A_933 : i32
      %and3A_935 = arith.andi %ne3A_931, %ne3A_934 : i1
      %sub3A_936 = arith.constant 1 : i32
      %sub3A_937 = arith.subi %div3A_916, %sub3A_936 : i32
      %select_n3A_938 = arith.select %and3A_935, %sub3A_937, %div3A_916 : i32
      %jit3A_939 = arith.constant 4 : i32
      %eq3A_940 = arith.constant 0 : i32
      %eq3A_941 = arith.cmpi eq, %jit3A_939, %eq3A_940 : i32
      %jit3A_942 = arith.constant 1 : i32
      %select_n3A_943 = arith.select %eq3A_941, %jit3A_942, %jit3A_939 : i32
      %rem3A_944 = arith.remsi %min3A_914, %select_n3A_943 : i32
      %ne3A_945 = arith.constant 0 : i32
      %ne3A_946 = arith.cmpi ne, %rem3A_944, %ne3A_945 : i32
      %lt3A_947 = arith.constant 0 : i32
      %lt3A_948 = arith.cmpi slt, %rem3A_944, %lt3A_947 : i32
      %lt3A_949 = arith.constant 0 : i32
      %lt3A_950 = arith.cmpi slt, %select_n3A_943, %lt3A_949 : i32
      %ne3A_951 = arith.xori %lt3A_948, %lt3A_950 : i1
      %and3A_952 = arith.andi %ne3A_951, %ne3A_946 : i1
      %add3A_953 = arith.addi %rem3A_944, %select_n3A_943 : i32
      %select_n3A_954 = arith.select %and3A_952, %add3A_953, %rem3A_944 : i32
      %mul3A_955 = arith.constant 128 : i32
      %mul3A_956 = arith.muli %select_n3A_954, %mul3A_955 : i32
      %dma_start3A_957 = arith.constant 4 : i32
      %dma_start3A_958 = arith.constant 0 : i32
      %dma_start3A_959 = arith.constant 0 : i32
      %dma_start3A_960 = tpu.memref_slice %arg6[%dma_start3A_957, %dma_start3A_958, %dma_start3A_959] : memref<8x128x64xf32, #tpu.memory_space<vmem>> -> memref<1x128x64xf32, #tpu.memory_space<vmem>>
      %dma_start3A_961 = tpu.memref_squeeze %dma_start3A_960 : memref<1x128x64xf32, #tpu.memory_space<vmem>> -> memref<128x64xf32, #tpu.memory_space<vmem>>
      %dma_start3A_962 = tpu.memref_slice %arg5[%select_n3A_938, %mul3A_956] : memref<50x512xi32, #tpu.memory_space<vmem>> -> memref<1x128xi32, #tpu.memory_space<vmem>>
      %dma_start3A_963 = tpu.memref_squeeze %dma_start3A_962 : memref<1x128xi32, #tpu.memory_space<vmem>> -> memref<128xi32, #tpu.memory_space<vmem>>
      %dma_start3A_964 = arith.constant 0 : i32
      %dma_start3A_965 = arith.constant 0 : i32
      %dma_start3A_966 = tpu.memref_slice %arg3[%dma_start3A_964, %dma_start3A_965] : memref<1000000x64xf32, #tpu.memory_space<hbm>> -> memref<1000000x64xf32, #tpu.memory_space<hbm>>
      tpu.enqueue_indirect_dma source(%dma_start3A_966 : memref<1000000x64xf32, #tpu.memory_space<hbm>>) target(%dma_start3A_961 : memref<128x64xf32, #tpu.memory_space<vmem>>) offsets(%dma_start3A_963 : memref<128xi32, #tpu.memory_space<vmem>>) semaphore(%arg11 : memref<!tpu.dma_semaphore, #tpu.memory_space<semaphore_mem>>)
      %mul3A_967 = arith.constant 8 : i32
      %mul3A_968 = arith.muli %scan3A_198, %mul3A_967 : i32
      %add3A_969 = arith.constant 5 : i32
      %add3A_970 = arith.addi %mul3A_968, %add3A_969 : i32
      %jit3A_971 = arith.constant 4 : i32
      %div3A_972 = arith.divsi %add3A_970, %jit3A_971 : i32
      %sign3A_973 = arith.constant 0 : i32
      %sign3A_974 = arith.cmpi sgt, %add3A_970, %sign3A_973 : i32
      %sign3A_975 = arith.extui %sign3A_974 : i1 to i32
      %sign3A_976 = arith.constant 0 : i32
      %sign3A_977 = arith.cmpi slt, %add3A_970, %sign3A_976 : i32
      %sign3A_978 = arith.extui %sign3A_977 : i1 to i32
      %sign3A_979 = arith.subi %sign3A_975, %sign3A_978 : i32
      %sign3A_980 = arith.constant 0 : i32
      %sign3A_981 = arith.cmpi sgt, %jit3A_971, %sign3A_980 : i32
      %sign3A_982 = arith.extui %sign3A_981 : i1 to i32
      %sign3A_983 = arith.constant 0 : i32
      %sign3A_984 = arith.cmpi slt, %jit3A_971, %sign3A_983 : i32
      %sign3A_985 = arith.extui %sign3A_984 : i1 to i32
      %sign3A_986 = arith.subi %sign3A_982, %sign3A_985 : i32
      %ne3A_987 = arith.cmpi ne, %sign3A_979, %sign3A_986 : i32
      %rem3A_988 = arith.remsi %add3A_970, %jit3A_971 : i32
      %ne3A_989 = arith.constant 0 : i32
      %ne3A_990 = arith.cmpi ne, %rem3A_988, %ne3A_989 : i32
      %and3A_991 = arith.andi %ne3A_987, %ne3A_990 : i1
      %sub3A_992 = arith.constant 1 : i32
      %sub3A_993 = arith.subi %div3A_972, %sub3A_992 : i32
      %select_n3A_994 = arith.select %and3A_991, %sub3A_993, %div3A_972 : i32
      %jit3A_995 = arith.constant 4 : i32
      %eq3A_996 = arith.constant 0 : i32
      %eq3A_997 = arith.cmpi eq, %jit3A_995, %eq3A_996 : i32
      %jit3A_998 = arith.constant 1 : i32
      %select_n3A_999 = arith.select %eq3A_997, %jit3A_998, %jit3A_995 : i32
      %rem3A_1000 = arith.remsi %add3A_970, %select_n3A_999 : i32
      %ne3A_1001 = arith.constant 0 : i32
      %ne3A_1002 = arith.cmpi ne, %rem3A_1000, %ne3A_1001 : i32
      %lt3A_1003 = arith.constant 0 : i32
      %lt3A_1004 = arith.cmpi slt, %rem3A_1000, %lt3A_1003 : i32
      %lt3A_1005 = arith.constant 0 : i32
      %lt3A_1006 = arith.cmpi slt, %select_n3A_999, %lt3A_1005 : i32
      %ne3A_1007 = arith.xori %lt3A_1004, %lt3A_1006 : i1
      %and3A_1008 = arith.andi %ne3A_1007, %ne3A_1002 : i1
      %add3A_1009 = arith.addi %rem3A_1000, %select_n3A_999 : i32
      %select_n3A_1010 = arith.select %and3A_1008, %add3A_1009, %rem3A_1000 : i32
      %mul3A_1011 = arith.constant 128 : i32
      %mul3A_1012 = arith.muli %select_n3A_1010, %mul3A_1011 : i32
      %dma_wait3A_1013 = arith.constant 5 : i32
      %dma_wait3A_1014 = arith.constant 0 : i32
      %dma_wait3A_1015 = arith.constant 0 : i32
      %dma_wait3A_1016 = tpu.memref_slice %arg6[%dma_wait3A_1013, %dma_wait3A_1014, %dma_wait3A_1015] : memref<8x128x64xf32, #tpu.memory_space<vmem>> -> memref<1x128x64xf32, #tpu.memory_space<vmem>>
      %dma_wait3A_1017 = tpu.memref_squeeze %dma_wait3A_1016 : memref<1x128x64xf32, #tpu.memory_space<vmem>> -> memref<128x64xf32, #tpu.memory_space<vmem>>
      %dma_wait3A_1018 = tpu.memref_slice %arg5[%select_n3A_994, %mul3A_1012] : memref<50x512xi32, #tpu.memory_space<vmem>> -> memref<1x128xi32, #tpu.memory_space<vmem>>
      %dma_wait3A_1019 = tpu.memref_squeeze %dma_wait3A_1018 : memref<1x128xi32, #tpu.memory_space<vmem>> -> memref<128xi32, #tpu.memory_space<vmem>>
      %dma_wait3A_1020 = arith.constant 0 : i32
      %dma_wait3A_1021 = arith.constant 0 : i32
      %dma_wait3A_1022 = tpu.memref_slice %arg3[%dma_wait3A_1020, %dma_wait3A_1021] : memref<1000000x64xf32, #tpu.memory_space<hbm>> -> memref<1000000x64xf32, #tpu.memory_space<hbm>>
      tpu.wait_indirect_dma semaphore(%arg12 : memref<!tpu.dma_semaphore, #tpu.memory_space<semaphore_mem>>) src(%dma_wait3A_1022 : memref<1000000x64xf32, #tpu.memory_space<hbm>>) dst(%dma_wait3A_1017 : memref<128x64xf32, #tpu.memory_space<vmem>>)
      %jit3A_1023 = arith.constant 4 : i32
      %div3A_1024 = arith.divsi %add3A_970, %jit3A_1023 : i32
      %sign3A_1025 = arith.constant 0 : i32
      %sign3A_1026 = arith.cmpi sgt, %add3A_970, %sign3A_1025 : i32
      %sign3A_1027 = arith.extui %sign3A_1026 : i1 to i32
      %sign3A_1028 = arith.constant 0 : i32
      %sign3A_1029 = arith.cmpi slt, %add3A_970, %sign3A_1028 : i32
      %sign3A_1030 = arith.extui %sign3A_1029 : i1 to i32
      %sign3A_1031 = arith.subi %sign3A_1027, %sign3A_1030 : i32
      %sign3A_1032 = arith.constant 0 : i32
      %sign3A_1033 = arith.cmpi sgt, %jit3A_1023, %sign3A_1032 : i32
      %sign3A_1034 = arith.extui %sign3A_1033 : i1 to i32
      %sign3A_1035 = arith.constant 0 : i32
      %sign3A_1036 = arith.cmpi slt, %jit3A_1023, %sign3A_1035 : i32
      %sign3A_1037 = arith.extui %sign3A_1036 : i1 to i32
      %sign3A_1038 = arith.subi %sign3A_1034, %sign3A_1037 : i32
      %ne3A_1039 = arith.cmpi ne, %sign3A_1031, %sign3A_1038 : i32
      %rem3A_1040 = arith.remsi %add3A_970, %jit3A_1023 : i32
      %ne3A_1041 = arith.constant 0 : i32
      %ne3A_1042 = arith.cmpi ne, %rem3A_1040, %ne3A_1041 : i32
      %and3A_1043 = arith.andi %ne3A_1039, %ne3A_1042 : i1
      %sub3A_1044 = arith.constant 1 : i32
      %sub3A_1045 = arith.subi %div3A_1024, %sub3A_1044 : i32
      %select_n3A_1046 = arith.select %and3A_1043, %sub3A_1045, %div3A_1024 : i32
      %jit3A_1047 = arith.constant 4 : i32
      %eq3A_1048 = arith.constant 0 : i32
      %eq3A_1049 = arith.cmpi eq, %jit3A_1047, %eq3A_1048 : i32
      %jit3A_1050 = arith.constant 1 : i32
      %select_n3A_1051 = arith.select %eq3A_1049, %jit3A_1050, %jit3A_1047 : i32
      %rem3A_1052 = arith.remsi %add3A_970, %select_n3A_1051 : i32
      %ne3A_1053 = arith.constant 0 : i32
      %ne3A_1054 = arith.cmpi ne, %rem3A_1052, %ne3A_1053 : i32
      %lt3A_1055 = arith.constant 0 : i32
      %lt3A_1056 = arith.cmpi slt, %rem3A_1052, %lt3A_1055 : i32
      %lt3A_1057 = arith.constant 0 : i32
      %lt3A_1058 = arith.cmpi slt, %select_n3A_1051, %lt3A_1057 : i32
      %ne3A_1059 = arith.xori %lt3A_1056, %lt3A_1058 : i1
      %and3A_1060 = arith.andi %ne3A_1059, %ne3A_1054 : i1
      %add3A_1061 = arith.addi %rem3A_1052, %select_n3A_1051 : i32
      %select_n3A_1062 = arith.select %and3A_1060, %add3A_1061, %rem3A_1052 : i32
      %mul3A_1063 = arith.constant 128 : i32
      %mul3A_1064 = arith.muli %select_n3A_1062, %mul3A_1063 : i32
      %add3A_1065 = arith.addi %mul3A_2, %mul3A_1064 : i32
      %run_scoped3A_1066 = arith.constant 5 : i32
      "tpu.region"() ({
        %run_scoped3A_1435 = tpu.sem_alloc : memref<!tpu.dma_semaphore, #tpu.memory_space<semaphore_mem>>
        %dma_start3A_1436 = arith.constant 0 : i32
        %dma_start3A_1437 = arith.constant 0 : i32
        %dma_start3A_1438 = tpu.memref_slice %arg6[%run_scoped3A_1066, %dma_start3A_1436, %dma_start3A_1437] : memref<8x128x64xf32, #tpu.memory_space<vmem>> -> memref<1x128x64xf32, #tpu.memory_space<vmem>>
        %dma_start3A_1439 = tpu.memref_squeeze %dma_start3A_1438 : memref<1x128x64xf32, #tpu.memory_space<vmem>> -> memref<128x64xf32, #tpu.memory_space<vmem>>
        %dma_start3A_1440 = arith.constant 0 : i32
        %dma_start3A_1441 = tpu.memref_slice %arg4[%add3A_1065, %select_n3A_1046, %dma_start3A_1440] : memref<16384x50x64xf32, #tpu.memory_space<hbm>> -> memref<128x1x64xf32, #tpu.memory_space<hbm>>
        %dma_start3A_1442 = tpu.memref_squeeze %dma_start3A_1441 : memref<128x1x64xf32, #tpu.memory_space<hbm>> -> memref<128x64xf32, #tpu.memory_space<hbm>>
        %dma_start3A_1443 = arith.constant 0 : i32
        %dma_start3A_1444 = tpu.memref_slice %arg4[%add3A_1065, %select_n3A_1046, %dma_start3A_1443] : memref<16384x50x64xf32, #tpu.memory_space<hbm>> -> memref<128x1x64xf32, #tpu.memory_space<hbm>>
        %dma_start3A_1445 = tpu.memref_squeeze %dma_start3A_1444 : memref<128x1x64xf32, #tpu.memory_space<hbm>> -> memref<128x64xf32, #tpu.memory_space<hbm>>
        %dma_start3A_1446 = arith.constant 0 : i32
        %dma_start3A_1447 = arith.constant 0 : i32
        %dma_start3A_1448 = tpu.memref_slice %arg6[%run_scoped3A_1066, %dma_start3A_1446, %dma_start3A_1447] : memref<8x128x64xf32, #tpu.memory_space<vmem>> -> memref<1x128x64xf32, #tpu.memory_space<vmem>>
        %dma_start3A_1449 = tpu.memref_squeeze %dma_start3A_1448 : memref<1x128x64xf32, #tpu.memory_space<vmem>> -> memref<128x64xf32, #tpu.memory_space<vmem>>
        tpu.enqueue_dma source(%dma_start3A_1449 : memref<128x64xf32, #tpu.memory_space<vmem>>) target(%dma_start3A_1445 : memref<128x64xf32, #tpu.memory_space<hbm>>) target_semaphore(%run_scoped3A_1435 : memref<!tpu.dma_semaphore, #tpu.memory_space<semaphore_mem>>)
        %dma_wait3A_1450 = arith.constant 0 : i32
        %dma_wait3A_1451 = arith.constant 0 : i32
        %dma_wait3A_1452 = tpu.memref_slice %arg6[%run_scoped3A_1066, %dma_wait3A_1450, %dma_wait3A_1451] : memref<8x128x64xf32, #tpu.memory_space<vmem>> -> memref<1x128x64xf32, #tpu.memory_space<vmem>>
        %dma_wait3A_1453 = tpu.memref_squeeze %dma_wait3A_1452 : memref<1x128x64xf32, #tpu.memory_space<vmem>> -> memref<128x64xf32, #tpu.memory_space<vmem>>
        %dma_wait3A_1454 = arith.constant 0 : i32
        %dma_wait3A_1455 = tpu.memref_slice %arg4[%add3A_1065, %select_n3A_1046, %dma_wait3A_1454] : memref<16384x50x64xf32, #tpu.memory_space<hbm>> -> memref<128x1x64xf32, #tpu.memory_space<hbm>>
        %dma_wait3A_1456 = tpu.memref_squeeze %dma_wait3A_1455 : memref<128x1x64xf32, #tpu.memory_space<hbm>> -> memref<128x64xf32, #tpu.memory_space<hbm>>
        %dma_wait3A_1457 = arith.constant 0 : i32
        %dma_wait3A_1458 = tpu.memref_slice %arg4[%add3A_1065, %select_n3A_1046, %dma_wait3A_1457] : memref<16384x50x64xf32, #tpu.memory_space<hbm>> -> memref<128x1x64xf32, #tpu.memory_space<hbm>>
        %dma_wait3A_1459 = tpu.memref_squeeze %dma_wait3A_1458 : memref<128x1x64xf32, #tpu.memory_space<hbm>> -> memref<128x64xf32, #tpu.memory_space<hbm>>
        %dma_wait3A_1460 = arith.constant 0 : i32
        %dma_wait3A_1461 = arith.constant 0 : i32
        %dma_wait3A_1462 = tpu.memref_slice %arg6[%run_scoped3A_1066, %dma_wait3A_1460, %dma_wait3A_1461] : memref<8x128x64xf32, #tpu.memory_space<vmem>> -> memref<1x128x64xf32, #tpu.memory_space<vmem>>
        %dma_wait3A_1463 = tpu.memref_squeeze %dma_wait3A_1462 : memref<1x128x64xf32, #tpu.memory_space<vmem>> -> memref<128x64xf32, #tpu.memory_space<vmem>>
        tpu.wait_dma2 semaphore(%run_scoped3A_1435 : memref<!tpu.dma_semaphore, #tpu.memory_space<semaphore_mem>>) src(%dma_wait3A_1463 : memref<128x64xf32, #tpu.memory_space<vmem>>) dst(%dma_wait3A_1459 : memref<128x64xf32, #tpu.memory_space<hbm>>)
        tpu.yield
      }) : () -> ()
      %add3A_1067 = arith.constant 8 : i32
      %add3A_1068 = arith.addi %add3A_970, %add3A_1067 : i32
      %min3A_1069 = arith.constant 199 : i32
      %min3A_1070 = arith.minsi %add3A_1068, %min3A_1069 : i32
      %jit3A_1071 = arith.constant 4 : i32
      %div3A_1072 = arith.divsi %min3A_1070, %jit3A_1071 : i32
      %sign3A_1073 = arith.constant 0 : i32
      %sign3A_1074 = arith.cmpi sgt, %min3A_1070, %sign3A_1073 : i32
      %sign3A_1075 = arith.extui %sign3A_1074 : i1 to i32
      %sign3A_1076 = arith.constant 0 : i32
      %sign3A_1077 = arith.cmpi slt, %min3A_1070, %sign3A_1076 : i32
      %sign3A_1078 = arith.extui %sign3A_1077 : i1 to i32
      %sign3A_1079 = arith.subi %sign3A_1075, %sign3A_1078 : i32
      %sign3A_1080 = arith.constant 0 : i32
      %sign3A_1081 = arith.cmpi sgt, %jit3A_1071, %sign3A_1080 : i32
      %sign3A_1082 = arith.extui %sign3A_1081 : i1 to i32
      %sign3A_1083 = arith.constant 0 : i32
      %sign3A_1084 = arith.cmpi slt, %jit3A_1071, %sign3A_1083 : i32
      %sign3A_1085 = arith.extui %sign3A_1084 : i1 to i32
      %sign3A_1086 = arith.subi %sign3A_1082, %sign3A_1085 : i32
      %ne3A_1087 = arith.cmpi ne, %sign3A_1079, %sign3A_1086 : i32
      %rem3A_1088 = arith.remsi %min3A_1070, %jit3A_1071 : i32
      %ne3A_1089 = arith.constant 0 : i32
      %ne3A_1090 = arith.cmpi ne, %rem3A_1088, %ne3A_1089 : i32
      %and3A_1091 = arith.andi %ne3A_1087, %ne3A_1090 : i1
      %sub3A_1092 = arith.constant 1 : i32
      %sub3A_1093 = arith.subi %div3A_1072, %sub3A_1092 : i32
      %select_n3A_1094 = arith.select %and3A_1091, %sub3A_1093, %div3A_1072 : i32
      %jit3A_1095 = arith.constant 4 : i32
      %eq3A_1096 = arith.constant 0 : i32
      %eq3A_1097 = arith.cmpi eq, %jit3A_1095, %eq3A_1096 : i32
      %jit3A_1098 = arith.constant 1 : i32
      %select_n3A_1099 = arith.select %eq3A_1097, %jit3A_1098, %jit3A_1095 : i32
      %rem3A_1100 = arith.remsi %min3A_1070, %select_n3A_1099 : i32
      %ne3A_1101 = arith.constant 0 : i32
      %ne3A_1102 = arith.cmpi ne, %rem3A_1100, %ne3A_1101 : i32
      %lt3A_1103 = arith.constant 0 : i32
      %lt3A_1104 = arith.cmpi slt, %rem3A_1100, %lt3A_1103 : i32
      %lt3A_1105 = arith.constant 0 : i32
      %lt3A_1106 = arith.cmpi slt, %select_n3A_1099, %lt3A_1105 : i32
      %ne3A_1107 = arith.xori %lt3A_1104, %lt3A_1106 : i1
      %and3A_1108 = arith.andi %ne3A_1107, %ne3A_1102 : i1
      %add3A_1109 = arith.addi %rem3A_1100, %select_n3A_1099 : i32
      %select_n3A_1110 = arith.select %and3A_1108, %add3A_1109, %rem3A_1100 : i32
      %mul3A_1111 = arith.constant 128 : i32
      %mul3A_1112 = arith.muli %select_n3A_1110, %mul3A_1111 : i32
      %dma_start3A_1113 = arith.constant 5 : i32
      %dma_start3A_1114 = arith.constant 0 : i32
      %dma_start3A_1115 = arith.constant 0 : i32
      %dma_start3A_1116 = tpu.memref_slice %arg6[%dma_start3A_1113, %dma_start3A_1114, %dma_start3A_1115] : memref<8x128x64xf32, #tpu.memory_space<vmem>> -> memref<1x128x64xf32, #tpu.memory_space<vmem>>
      %dma_start3A_1117 = tpu.memref_squeeze %dma_start3A_1116 : memref<1x128x64xf32, #tpu.memory_space<vmem>> -> memref<128x64xf32, #tpu.memory_space<vmem>>
      %dma_start3A_1118 = tpu.memref_slice %arg5[%select_n3A_1094, %mul3A_1112] : memref<50x512xi32, #tpu.memory_space<vmem>> -> memref<1x128xi32, #tpu.memory_space<vmem>>
      %dma_start3A_1119 = tpu.memref_squeeze %dma_start3A_1118 : memref<1x128xi32, #tpu.memory_space<vmem>> -> memref<128xi32, #tpu.memory_space<vmem>>
      %dma_start3A_1120 = arith.constant 0 : i32
      %dma_start3A_1121 = arith.constant 0 : i32
      %dma_start3A_1122 = tpu.memref_slice %arg3[%dma_start3A_1120, %dma_start3A_1121] : memref<1000000x64xf32, #tpu.memory_space<hbm>> -> memref<1000000x64xf32, #tpu.memory_space<hbm>>
      tpu.enqueue_indirect_dma source(%dma_start3A_1122 : memref<1000000x64xf32, #tpu.memory_space<hbm>>) target(%dma_start3A_1117 : memref<128x64xf32, #tpu.memory_space<vmem>>) offsets(%dma_start3A_1119 : memref<128xi32, #tpu.memory_space<vmem>>) semaphore(%arg12 : memref<!tpu.dma_semaphore, #tpu.memory_space<semaphore_mem>>)
      %mul3A_1123 = arith.constant 8 : i32
      %mul3A_1124 = arith.muli %scan3A_198, %mul3A_1123 : i32
      %add3A_1125 = arith.constant 6 : i32
      %add3A_1126 = arith.addi %mul3A_1124, %add3A_1125 : i32
      %jit3A_1127 = arith.constant 4 : i32
      %div3A_1128 = arith.divsi %add3A_1126, %jit3A_1127 : i32
      %sign3A_1129 = arith.constant 0 : i32
      %sign3A_1130 = arith.cmpi sgt, %add3A_1126, %sign3A_1129 : i32
      %sign3A_1131 = arith.extui %sign3A_1130 : i1 to i32
      %sign3A_1132 = arith.constant 0 : i32
      %sign3A_1133 = arith.cmpi slt, %add3A_1126, %sign3A_1132 : i32
      %sign3A_1134 = arith.extui %sign3A_1133 : i1 to i32
      %sign3A_1135 = arith.subi %sign3A_1131, %sign3A_1134 : i32
      %sign3A_1136 = arith.constant 0 : i32
      %sign3A_1137 = arith.cmpi sgt, %jit3A_1127, %sign3A_1136 : i32
      %sign3A_1138 = arith.extui %sign3A_1137 : i1 to i32
      %sign3A_1139 = arith.constant 0 : i32
      %sign3A_1140 = arith.cmpi slt, %jit3A_1127, %sign3A_1139 : i32
      %sign3A_1141 = arith.extui %sign3A_1140 : i1 to i32
      %sign3A_1142 = arith.subi %sign3A_1138, %sign3A_1141 : i32
      %ne3A_1143 = arith.cmpi ne, %sign3A_1135, %sign3A_1142 : i32
      %rem3A_1144 = arith.remsi %add3A_1126, %jit3A_1127 : i32
      %ne3A_1145 = arith.constant 0 : i32
      %ne3A_1146 = arith.cmpi ne, %rem3A_1144, %ne3A_1145 : i32
      %and3A_1147 = arith.andi %ne3A_1143, %ne3A_1146 : i1
      %sub3A_1148 = arith.constant 1 : i32
      %sub3A_1149 = arith.subi %div3A_1128, %sub3A_1148 : i32
      %select_n3A_1150 = arith.select %and3A_1147, %sub3A_1149, %div3A_1128 : i32
      %jit3A_1151 = arith.constant 4 : i32
      %eq3A_1152 = arith.constant 0 : i32
      %eq3A_1153 = arith.cmpi eq, %jit3A_1151, %eq3A_1152 : i32
      %jit3A_1154 = arith.constant 1 : i32
      %select_n3A_1155 = arith.select %eq3A_1153, %jit3A_1154, %jit3A_1151 : i32
      %rem3A_1156 = arith.remsi %add3A_1126, %select_n3A_1155 : i32
      %ne3A_1157 = arith.constant 0 : i32
      %ne3A_1158 = arith.cmpi ne, %rem3A_1156, %ne3A_1157 : i32
      %lt3A_1159 = arith.constant 0 : i32
      %lt3A_1160 = arith.cmpi slt, %rem3A_1156, %lt3A_1159 : i32
      %lt3A_1161 = arith.constant 0 : i32
      %lt3A_1162 = arith.cmpi slt, %select_n3A_1155, %lt3A_1161 : i32
      %ne3A_1163 = arith.xori %lt3A_1160, %lt3A_1162 : i1
      %and3A_1164 = arith.andi %ne3A_1163, %ne3A_1158 : i1
      %add3A_1165 = arith.addi %rem3A_1156, %select_n3A_1155 : i32
      %select_n3A_1166 = arith.select %and3A_1164, %add3A_1165, %rem3A_1156 : i32
      %mul3A_1167 = arith.constant 128 : i32
      %mul3A_1168 = arith.muli %select_n3A_1166, %mul3A_1167 : i32
      %dma_wait3A_1169 = arith.constant 6 : i32
      %dma_wait3A_1170 = arith.constant 0 : i32
      %dma_wait3A_1171 = arith.constant 0 : i32
      %dma_wait3A_1172 = tpu.memref_slice %arg6[%dma_wait3A_1169, %dma_wait3A_1170, %dma_wait3A_1171] : memref<8x128x64xf32, #tpu.memory_space<vmem>> -> memref<1x128x64xf32, #tpu.memory_space<vmem>>
      %dma_wait3A_1173 = tpu.memref_squeeze %dma_wait3A_1172 : memref<1x128x64xf32, #tpu.memory_space<vmem>> -> memref<128x64xf32, #tpu.memory_space<vmem>>
      %dma_wait3A_1174 = tpu.memref_slice %arg5[%select_n3A_1150, %mul3A_1168] : memref<50x512xi32, #tpu.memory_space<vmem>> -> memref<1x128xi32, #tpu.memory_space<vmem>>
      %dma_wait3A_1175 = tpu.memref_squeeze %dma_wait3A_1174 : memref<1x128xi32, #tpu.memory_space<vmem>> -> memref<128xi32, #tpu.memory_space<vmem>>
      %dma_wait3A_1176 = arith.constant 0 : i32
      %dma_wait3A_1177 = arith.constant 0 : i32
      %dma_wait3A_1178 = tpu.memref_slice %arg3[%dma_wait3A_1176, %dma_wait3A_1177] : memref<1000000x64xf32, #tpu.memory_space<hbm>> -> memref<1000000x64xf32, #tpu.memory_space<hbm>>
      tpu.wait_indirect_dma semaphore(%arg13 : memref<!tpu.dma_semaphore, #tpu.memory_space<semaphore_mem>>) src(%dma_wait3A_1178 : memref<1000000x64xf32, #tpu.memory_space<hbm>>) dst(%dma_wait3A_1173 : memref<128x64xf32, #tpu.memory_space<vmem>>)
      %jit3A_1179 = arith.constant 4 : i32
      %div3A_1180 = arith.divsi %add3A_1126, %jit3A_1179 : i32
      %sign3A_1181 = arith.constant 0 : i32
      %sign3A_1182 = arith.cmpi sgt, %add3A_1126, %sign3A_1181 : i32
      %sign3A_1183 = arith.extui %sign3A_1182 : i1 to i32
      %sign3A_1184 = arith.constant 0 : i32
      %sign3A_1185 = arith.cmpi slt, %add3A_1126, %sign3A_1184 : i32
      %sign3A_1186 = arith.extui %sign3A_1185 : i1 to i32
      %sign3A_1187 = arith.subi %sign3A_1183, %sign3A_1186 : i32
      %sign3A_1188 = arith.constant 0 : i32
      %sign3A_1189 = arith.cmpi sgt, %jit3A_1179, %sign3A_1188 : i32
      %sign3A_1190 = arith.extui %sign3A_1189 : i1 to i32
      %sign3A_1191 = arith.constant 0 : i32
      %sign3A_1192 = arith.cmpi slt, %jit3A_1179, %sign3A_1191 : i32
      %sign3A_1193 = arith.extui %sign3A_1192 : i1 to i32
      %sign3A_1194 = arith.subi %sign3A_1190, %sign3A_1193 : i32
      %ne3A_1195 = arith.cmpi ne, %sign3A_1187, %sign3A_1194 : i32
      %rem3A_1196 = arith.remsi %add3A_1126, %jit3A_1179 : i32
      %ne3A_1197 = arith.constant 0 : i32
      %ne3A_1198 = arith.cmpi ne, %rem3A_1196, %ne3A_1197 : i32
      %and3A_1199 = arith.andi %ne3A_1195, %ne3A_1198 : i1
      %sub3A_1200 = arith.constant 1 : i32
      %sub3A_1201 = arith.subi %div3A_1180, %sub3A_1200 : i32
      %select_n3A_1202 = arith.select %and3A_1199, %sub3A_1201, %div3A_1180 : i32
      %jit3A_1203 = arith.constant 4 : i32
      %eq3A_1204 = arith.constant 0 : i32
      %eq3A_1205 = arith.cmpi eq, %jit3A_1203, %eq3A_1204 : i32
      %jit3A_1206 = arith.constant 1 : i32
      %select_n3A_1207 = arith.select %eq3A_1205, %jit3A_1206, %jit3A_1203 : i32
      %rem3A_1208 = arith.remsi %add3A_1126, %select_n3A_1207 : i32
      %ne3A_1209 = arith.constant 0 : i32
      %ne3A_1210 = arith.cmpi ne, %rem3A_1208, %ne3A_1209 : i32
      %lt3A_1211 = arith.constant 0 : i32
      %lt3A_1212 = arith.cmpi slt, %rem3A_1208, %lt3A_1211 : i32
      %lt3A_1213 = arith.constant 0 : i32
      %lt3A_1214 = arith.cmpi slt, %select_n3A_1207, %lt3A_1213 : i32
      %ne3A_1215 = arith.xori %lt3A_1212, %lt3A_1214 : i1
      %and3A_1216 = arith.andi %ne3A_1215, %ne3A_1210 : i1
      %add3A_1217 = arith.addi %rem3A_1208, %select_n3A_1207 : i32
      %select_n3A_1218 = arith.select %and3A_1216, %add3A_1217, %rem3A_1208 : i32
      %mul3A_1219 = arith.constant 128 : i32
      %mul3A_1220 = arith.muli %select_n3A_1218, %mul3A_1219 : i32
      %add3A_1221 = arith.addi %mul3A_2, %mul3A_1220 : i32
      %run_scoped3A_1222 = arith.constant 6 : i32
      "tpu.region"() ({
        %run_scoped3A_1435 = tpu.sem_alloc : memref<!tpu.dma_semaphore, #tpu.memory_space<semaphore_mem>>
        %dma_start3A_1436 = arith.constant 0 : i32
        %dma_start3A_1437 = arith.constant 0 : i32
        %dma_start3A_1438 = tpu.memref_slice %arg6[%run_scoped3A_1222, %dma_start3A_1436, %dma_start3A_1437] : memref<8x128x64xf32, #tpu.memory_space<vmem>> -> memref<1x128x64xf32, #tpu.memory_space<vmem>>
        %dma_start3A_1439 = tpu.memref_squeeze %dma_start3A_1438 : memref<1x128x64xf32, #tpu.memory_space<vmem>> -> memref<128x64xf32, #tpu.memory_space<vmem>>
        %dma_start3A_1440 = arith.constant 0 : i32
        %dma_start3A_1441 = tpu.memref_slice %arg4[%add3A_1221, %select_n3A_1202, %dma_start3A_1440] : memref<16384x50x64xf32, #tpu.memory_space<hbm>> -> memref<128x1x64xf32, #tpu.memory_space<hbm>>
        %dma_start3A_1442 = tpu.memref_squeeze %dma_start3A_1441 : memref<128x1x64xf32, #tpu.memory_space<hbm>> -> memref<128x64xf32, #tpu.memory_space<hbm>>
        %dma_start3A_1443 = arith.constant 0 : i32
        %dma_start3A_1444 = tpu.memref_slice %arg4[%add3A_1221, %select_n3A_1202, %dma_start3A_1443] : memref<16384x50x64xf32, #tpu.memory_space<hbm>> -> memref<128x1x64xf32, #tpu.memory_space<hbm>>
        %dma_start3A_1445 = tpu.memref_squeeze %dma_start3A_1444 : memref<128x1x64xf32, #tpu.memory_space<hbm>> -> memref<128x64xf32, #tpu.memory_space<hbm>>
        %dma_start3A_1446 = arith.constant 0 : i32
        %dma_start3A_1447 = arith.constant 0 : i32
        %dma_start3A_1448 = tpu.memref_slice %arg6[%run_scoped3A_1222, %dma_start3A_1446, %dma_start3A_1447] : memref<8x128x64xf32, #tpu.memory_space<vmem>> -> memref<1x128x64xf32, #tpu.memory_space<vmem>>
        %dma_start3A_1449 = tpu.memref_squeeze %dma_start3A_1448 : memref<1x128x64xf32, #tpu.memory_space<vmem>> -> memref<128x64xf32, #tpu.memory_space<vmem>>
        tpu.enqueue_dma source(%dma_start3A_1449 : memref<128x64xf32, #tpu.memory_space<vmem>>) target(%dma_start3A_1445 : memref<128x64xf32, #tpu.memory_space<hbm>>) target_semaphore(%run_scoped3A_1435 : memref<!tpu.dma_semaphore, #tpu.memory_space<semaphore_mem>>)
        %dma_wait3A_1450 = arith.constant 0 : i32
        %dma_wait3A_1451 = arith.constant 0 : i32
        %dma_wait3A_1452 = tpu.memref_slice %arg6[%run_scoped3A_1222, %dma_wait3A_1450, %dma_wait3A_1451] : memref<8x128x64xf32, #tpu.memory_space<vmem>> -> memref<1x128x64xf32, #tpu.memory_space<vmem>>
        %dma_wait3A_1453 = tpu.memref_squeeze %dma_wait3A_1452 : memref<1x128x64xf32, #tpu.memory_space<vmem>> -> memref<128x64xf32, #tpu.memory_space<vmem>>
        %dma_wait3A_1454 = arith.constant 0 : i32
        %dma_wait3A_1455 = tpu.memref_slice %arg4[%add3A_1221, %select_n3A_1202, %dma_wait3A_1454] : memref<16384x50x64xf32, #tpu.memory_space<hbm>> -> memref<128x1x64xf32, #tpu.memory_space<hbm>>
        %dma_wait3A_1456 = tpu.memref_squeeze %dma_wait3A_1455 : memref<128x1x64xf32, #tpu.memory_space<hbm>> -> memref<128x64xf32, #tpu.memory_space<hbm>>
        %dma_wait3A_1457 = arith.constant 0 : i32
        %dma_wait3A_1458 = tpu.memref_slice %arg4[%add3A_1221, %select_n3A_1202, %dma_wait3A_1457] : memref<16384x50x64xf32, #tpu.memory_space<hbm>> -> memref<128x1x64xf32, #tpu.memory_space<hbm>>
        %dma_wait3A_1459 = tpu.memref_squeeze %dma_wait3A_1458 : memref<128x1x64xf32, #tpu.memory_space<hbm>> -> memref<128x64xf32, #tpu.memory_space<hbm>>
        %dma_wait3A_1460 = arith.constant 0 : i32
        %dma_wait3A_1461 = arith.constant 0 : i32
        %dma_wait3A_1462 = tpu.memref_slice %arg6[%run_scoped3A_1222, %dma_wait3A_1460, %dma_wait3A_1461] : memref<8x128x64xf32, #tpu.memory_space<vmem>> -> memref<1x128x64xf32, #tpu.memory_space<vmem>>
        %dma_wait3A_1463 = tpu.memref_squeeze %dma_wait3A_1462 : memref<1x128x64xf32, #tpu.memory_space<vmem>> -> memref<128x64xf32, #tpu.memory_space<vmem>>
        tpu.wait_dma2 semaphore(%run_scoped3A_1435 : memref<!tpu.dma_semaphore, #tpu.memory_space<semaphore_mem>>) src(%dma_wait3A_1463 : memref<128x64xf32, #tpu.memory_space<vmem>>) dst(%dma_wait3A_1459 : memref<128x64xf32, #tpu.memory_space<hbm>>)
        tpu.yield
      }) : () -> ()
      %add3A_1223 = arith.constant 8 : i32
      %add3A_1224 = arith.addi %add3A_1126, %add3A_1223 : i32
      %min3A_1225 = arith.constant 199 : i32
      %min3A_1226 = arith.minsi %add3A_1224, %min3A_1225 : i32
      %jit3A_1227 = arith.constant 4 : i32
      %div3A_1228 = arith.divsi %min3A_1226, %jit3A_1227 : i32
      %sign3A_1229 = arith.constant 0 : i32
      %sign3A_1230 = arith.cmpi sgt, %min3A_1226, %sign3A_1229 : i32
      %sign3A_1231 = arith.extui %sign3A_1230 : i1 to i32
      %sign3A_1232 = arith.constant 0 : i32
      %sign3A_1233 = arith.cmpi slt, %min3A_1226, %sign3A_1232 : i32
      %sign3A_1234 = arith.extui %sign3A_1233 : i1 to i32
      %sign3A_1235 = arith.subi %sign3A_1231, %sign3A_1234 : i32
      %sign3A_1236 = arith.constant 0 : i32
      %sign3A_1237 = arith.cmpi sgt, %jit3A_1227, %sign3A_1236 : i32
      %sign3A_1238 = arith.extui %sign3A_1237 : i1 to i32
      %sign3A_1239 = arith.constant 0 : i32
      %sign3A_1240 = arith.cmpi slt, %jit3A_1227, %sign3A_1239 : i32
      %sign3A_1241 = arith.extui %sign3A_1240 : i1 to i32
      %sign3A_1242 = arith.subi %sign3A_1238, %sign3A_1241 : i32
      %ne3A_1243 = arith.cmpi ne, %sign3A_1235, %sign3A_1242 : i32
      %rem3A_1244 = arith.remsi %min3A_1226, %jit3A_1227 : i32
      %ne3A_1245 = arith.constant 0 : i32
      %ne3A_1246 = arith.cmpi ne, %rem3A_1244, %ne3A_1245 : i32
      %and3A_1247 = arith.andi %ne3A_1243, %ne3A_1246 : i1
      %sub3A_1248 = arith.constant 1 : i32
      %sub3A_1249 = arith.subi %div3A_1228, %sub3A_1248 : i32
      %select_n3A_1250 = arith.select %and3A_1247, %sub3A_1249, %div3A_1228 : i32
      %jit3A_1251 = arith.constant 4 : i32
      %eq3A_1252 = arith.constant 0 : i32
      %eq3A_1253 = arith.cmpi eq, %jit3A_1251, %eq3A_1252 : i32
      %jit3A_1254 = arith.constant 1 : i32
      %select_n3A_1255 = arith.select %eq3A_1253, %jit3A_1254, %jit3A_1251 : i32
      %rem3A_1256 = arith.remsi %min3A_1226, %select_n3A_1255 : i32
      %ne3A_1257 = arith.constant 0 : i32
      %ne3A_1258 = arith.cmpi ne, %rem3A_1256, %ne3A_1257 : i32
      %lt3A_1259 = arith.constant 0 : i32
      %lt3A_1260 = arith.cmpi slt, %rem3A_1256, %lt3A_1259 : i32
      %lt3A_1261 = arith.constant 0 : i32
      %lt3A_1262 = arith.cmpi slt, %select_n3A_1255, %lt3A_1261 : i32
      %ne3A_1263 = arith.xori %lt3A_1260, %lt3A_1262 : i1
      %and3A_1264 = arith.andi %ne3A_1263, %ne3A_1258 : i1
      %add3A_1265 = arith.addi %rem3A_1256, %select_n3A_1255 : i32
      %select_n3A_1266 = arith.select %and3A_1264, %add3A_1265, %rem3A_1256 : i32
      %mul3A_1267 = arith.constant 128 : i32
      %mul3A_1268 = arith.muli %select_n3A_1266, %mul3A_1267 : i32
      %dma_start3A_1269 = arith.constant 6 : i32
      %dma_start3A_1270 = arith.constant 0 : i32
      %dma_start3A_1271 = arith.constant 0 : i32
      %dma_start3A_1272 = tpu.memref_slice %arg6[%dma_start3A_1269, %dma_start3A_1270, %dma_start3A_1271] : memref<8x128x64xf32, #tpu.memory_space<vmem>> -> memref<1x128x64xf32, #tpu.memory_space<vmem>>
      %dma_start3A_1273 = tpu.memref_squeeze %dma_start3A_1272 : memref<1x128x64xf32, #tpu.memory_space<vmem>> -> memref<128x64xf32, #tpu.memory_space<vmem>>
      %dma_start3A_1274 = tpu.memref_slice %arg5[%select_n3A_1250, %mul3A_1268] : memref<50x512xi32, #tpu.memory_space<vmem>> -> memref<1x128xi32, #tpu.memory_space<vmem>>
      %dma_start3A_1275 = tpu.memref_squeeze %dma_start3A_1274 : memref<1x128xi32, #tpu.memory_space<vmem>> -> memref<128xi32, #tpu.memory_space<vmem>>
      %dma_start3A_1276 = arith.constant 0 : i32
      %dma_start3A_1277 = arith.constant 0 : i32
      %dma_start3A_1278 = tpu.memref_slice %arg3[%dma_start3A_1276, %dma_start3A_1277] : memref<1000000x64xf32, #tpu.memory_space<hbm>> -> memref<1000000x64xf32, #tpu.memory_space<hbm>>
      tpu.enqueue_indirect_dma source(%dma_start3A_1278 : memref<1000000x64xf32, #tpu.memory_space<hbm>>) target(%dma_start3A_1273 : memref<128x64xf32, #tpu.memory_space<vmem>>) offsets(%dma_start3A_1275 : memref<128xi32, #tpu.memory_space<vmem>>) semaphore(%arg13 : memref<!tpu.dma_semaphore, #tpu.memory_space<semaphore_mem>>)
      %mul3A_1279 = arith.constant 8 : i32
      %mul3A_1280 = arith.muli %scan3A_198, %mul3A_1279 : i32
      %add3A_1281 = arith.constant 7 : i32
      %add3A_1282 = arith.addi %mul3A_1280, %add3A_1281 : i32
      %jit3A_1283 = arith.constant 4 : i32
      %div3A_1284 = arith.divsi %add3A_1282, %jit3A_1283 : i32
      %sign3A_1285 = arith.constant 0 : i32
      %sign3A_1286 = arith.cmpi sgt, %add3A_1282, %sign3A_1285 : i32
      %sign3A_1287 = arith.extui %sign3A_1286 : i1 to i32
      %sign3A_1288 = arith.constant 0 : i32
      %sign3A_1289 = arith.cmpi slt, %add3A_1282, %sign3A_1288 : i32
      %sign3A_1290 = arith.extui %sign3A_1289 : i1 to i32
      %sign3A_1291 = arith.subi %sign3A_1287, %sign3A_1290 : i32
      %sign3A_1292 = arith.constant 0 : i32
      %sign3A_1293 = arith.cmpi sgt, %jit3A_1283, %sign3A_1292 : i32
      %sign3A_1294 = arith.extui %sign3A_1293 : i1 to i32
      %sign3A_1295 = arith.constant 0 : i32
      %sign3A_1296 = arith.cmpi slt, %jit3A_1283, %sign3A_1295 : i32
      %sign3A_1297 = arith.extui %sign3A_1296 : i1 to i32
      %sign3A_1298 = arith.subi %sign3A_1294, %sign3A_1297 : i32
      %ne3A_1299 = arith.cmpi ne, %sign3A_1291, %sign3A_1298 : i32
      %rem3A_1300 = arith.remsi %add3A_1282, %jit3A_1283 : i32
      %ne3A_1301 = arith.constant 0 : i32
      %ne3A_1302 = arith.cmpi ne, %rem3A_1300, %ne3A_1301 : i32
      %and3A_1303 = arith.andi %ne3A_1299, %ne3A_1302 : i1
      %sub3A_1304 = arith.constant 1 : i32
      %sub3A_1305 = arith.subi %div3A_1284, %sub3A_1304 : i32
      %select_n3A_1306 = arith.select %and3A_1303, %sub3A_1305, %div3A_1284 : i32
      %jit3A_1307 = arith.constant 4 : i32
      %eq3A_1308 = arith.constant 0 : i32
      %eq3A_1309 = arith.cmpi eq, %jit3A_1307, %eq3A_1308 : i32
      %jit3A_1310 = arith.constant 1 : i32
      %select_n3A_1311 = arith.select %eq3A_1309, %jit3A_1310, %jit3A_1307 : i32
      %rem3A_1312 = arith.remsi %add3A_1282, %select_n3A_1311 : i32
      %ne3A_1313 = arith.constant 0 : i32
      %ne3A_1314 = arith.cmpi ne, %rem3A_1312, %ne3A_1313 : i32
      %lt3A_1315 = arith.constant 0 : i32
      %lt3A_1316 = arith.cmpi slt, %rem3A_1312, %lt3A_1315 : i32
      %lt3A_1317 = arith.constant 0 : i32
      %lt3A_1318 = arith.cmpi slt, %select_n3A_1311, %lt3A_1317 : i32
      %ne3A_1319 = arith.xori %lt3A_1316, %lt3A_1318 : i1
      %and3A_1320 = arith.andi %ne3A_1319, %ne3A_1314 : i1
      %add3A_1321 = arith.addi %rem3A_1312, %select_n3A_1311 : i32
      %select_n3A_1322 = arith.select %and3A_1320, %add3A_1321, %rem3A_1312 : i32
      %mul3A_1323 = arith.constant 128 : i32
      %mul3A_1324 = arith.muli %select_n3A_1322, %mul3A_1323 : i32
      %dma_wait3A_1325 = arith.constant 7 : i32
      %dma_wait3A_1326 = arith.constant 0 : i32
      %dma_wait3A_1327 = arith.constant 0 : i32
      %dma_wait3A_1328 = tpu.memref_slice %arg6[%dma_wait3A_1325, %dma_wait3A_1326, %dma_wait3A_1327] : memref<8x128x64xf32, #tpu.memory_space<vmem>> -> memref<1x128x64xf32, #tpu.memory_space<vmem>>
      %dma_wait3A_1329 = tpu.memref_squeeze %dma_wait3A_1328 : memref<1x128x64xf32, #tpu.memory_space<vmem>> -> memref<128x64xf32, #tpu.memory_space<vmem>>
      %dma_wait3A_1330 = tpu.memref_slice %arg5[%select_n3A_1306, %mul3A_1324] : memref<50x512xi32, #tpu.memory_space<vmem>> -> memref<1x128xi32, #tpu.memory_space<vmem>>
      %dma_wait3A_1331 = tpu.memref_squeeze %dma_wait3A_1330 : memref<1x128xi32, #tpu.memory_space<vmem>> -> memref<128xi32, #tpu.memory_space<vmem>>
      %dma_wait3A_1332 = arith.constant 0 : i32
      %dma_wait3A_1333 = arith.constant 0 : i32
      %dma_wait3A_1334 = tpu.memref_slice %arg3[%dma_wait3A_1332, %dma_wait3A_1333] : memref<1000000x64xf32, #tpu.memory_space<hbm>> -> memref<1000000x64xf32, #tpu.memory_space<hbm>>
      tpu.wait_indirect_dma semaphore(%arg14 : memref<!tpu.dma_semaphore, #tpu.memory_space<semaphore_mem>>) src(%dma_wait3A_1334 : memref<1000000x64xf32, #tpu.memory_space<hbm>>) dst(%dma_wait3A_1329 : memref<128x64xf32, #tpu.memory_space<vmem>>)
      %jit3A_1335 = arith.constant 4 : i32
      %div3A_1336 = arith.divsi %add3A_1282, %jit3A_1335 : i32
      %sign3A_1337 = arith.constant 0 : i32
      %sign3A_1338 = arith.cmpi sgt, %add3A_1282, %sign3A_1337 : i32
      %sign3A_1339 = arith.extui %sign3A_1338 : i1 to i32
      %sign3A_1340 = arith.constant 0 : i32
      %sign3A_1341 = arith.cmpi slt, %add3A_1282, %sign3A_1340 : i32
      %sign3A_1342 = arith.extui %sign3A_1341 : i1 to i32
      %sign3A_1343 = arith.subi %sign3A_1339, %sign3A_1342 : i32
      %sign3A_1344 = arith.constant 0 : i32
      %sign3A_1345 = arith.cmpi sgt, %jit3A_1335, %sign3A_1344 : i32
      %sign3A_1346 = arith.extui %sign3A_1345 : i1 to i32
      %sign3A_1347 = arith.constant 0 : i32
      %sign3A_1348 = arith.cmpi slt, %jit3A_1335, %sign3A_1347 : i32
      %sign3A_1349 = arith.extui %sign3A_1348 : i1 to i32
      %sign3A_1350 = arith.subi %sign3A_1346, %sign3A_1349 : i32
      %ne3A_1351 = arith.cmpi ne, %sign3A_1343, %sign3A_1350 : i32
      %rem3A_1352 = arith.remsi %add3A_1282, %jit3A_1335 : i32
      %ne3A_1353 = arith.constant 0 : i32
      %ne3A_1354 = arith.cmpi ne, %rem3A_1352, %ne3A_1353 : i32
      %and3A_1355 = arith.andi %ne3A_1351, %ne3A_1354 : i1
      %sub3A_1356 = arith.constant 1 : i32
      %sub3A_1357 = arith.subi %div3A_1336, %sub3A_1356 : i32
      %select_n3A_1358 = arith.select %and3A_1355, %sub3A_1357, %div3A_1336 : i32
      %jit3A_1359 = arith.constant 4 : i32
      %eq3A_1360 = arith.constant 0 : i32
      %eq3A_1361 = arith.cmpi eq, %jit3A_1359, %eq3A_1360 : i32
      %jit3A_1362 = arith.constant 1 : i32
      %select_n3A_1363 = arith.select %eq3A_1361, %jit3A_1362, %jit3A_1359 : i32
      %rem3A_1364 = arith.remsi %add3A_1282, %select_n3A_1363 : i32
      %ne3A_1365 = arith.constant 0 : i32
      %ne3A_1366 = arith.cmpi ne, %rem3A_1364, %ne3A_1365 : i32
      %lt3A_1367 = arith.constant 0 : i32
      %lt3A_1368 = arith.cmpi slt, %rem3A_1364, %lt3A_1367 : i32
      %lt3A_1369 = arith.constant 0 : i32
      %lt3A_1370 = arith.cmpi slt, %select_n3A_1363, %lt3A_1369 : i32
      %ne3A_1371 = arith.xori %lt3A_1368, %lt3A_1370 : i1
      %and3A_1372 = arith.andi %ne3A_1371, %ne3A_1366 : i1
      %add3A_1373 = arith.addi %rem3A_1364, %select_n3A_1363 : i32
      %select_n3A_1374 = arith.select %and3A_1372, %add3A_1373, %rem3A_1364 : i32
      %mul3A_1375 = arith.constant 128 : i32
      %mul3A_1376 = arith.muli %select_n3A_1374, %mul3A_1375 : i32
      %add3A_1377 = arith.addi %mul3A_2, %mul3A_1376 : i32
      %run_scoped3A_1378 = arith.constant 7 : i32
      "tpu.region"() ({
        %run_scoped3A_1435 = tpu.sem_alloc : memref<!tpu.dma_semaphore, #tpu.memory_space<semaphore_mem>>
        %dma_start3A_1436 = arith.constant 0 : i32
        %dma_start3A_1437 = arith.constant 0 : i32
        %dma_start3A_1438 = tpu.memref_slice %arg6[%run_scoped3A_1378, %dma_start3A_1436, %dma_start3A_1437] : memref<8x128x64xf32, #tpu.memory_space<vmem>> -> memref<1x128x64xf32, #tpu.memory_space<vmem>>
        %dma_start3A_1439 = tpu.memref_squeeze %dma_start3A_1438 : memref<1x128x64xf32, #tpu.memory_space<vmem>> -> memref<128x64xf32, #tpu.memory_space<vmem>>
        %dma_start3A_1440 = arith.constant 0 : i32
        %dma_start3A_1441 = tpu.memref_slice %arg4[%add3A_1377, %select_n3A_1358, %dma_start3A_1440] : memref<16384x50x64xf32, #tpu.memory_space<hbm>> -> memref<128x1x64xf32, #tpu.memory_space<hbm>>
        %dma_start3A_1442 = tpu.memref_squeeze %dma_start3A_1441 : memref<128x1x64xf32, #tpu.memory_space<hbm>> -> memref<128x64xf32, #tpu.memory_space<hbm>>
        %dma_start3A_1443 = arith.constant 0 : i32
        %dma_start3A_1444 = tpu.memref_slice %arg4[%add3A_1377, %select_n3A_1358, %dma_start3A_1443] : memref<16384x50x64xf32, #tpu.memory_space<hbm>> -> memref<128x1x64xf32, #tpu.memory_space<hbm>>
        %dma_start3A_1445 = tpu.memref_squeeze %dma_start3A_1444 : memref<128x1x64xf32, #tpu.memory_space<hbm>> -> memref<128x64xf32, #tpu.memory_space<hbm>>
        %dma_start3A_1446 = arith.constant 0 : i32
        %dma_start3A_1447 = arith.constant 0 : i32
        %dma_start3A_1448 = tpu.memref_slice %arg6[%run_scoped3A_1378, %dma_start3A_1446, %dma_start3A_1447] : memref<8x128x64xf32, #tpu.memory_space<vmem>> -> memref<1x128x64xf32, #tpu.memory_space<vmem>>
        %dma_start3A_1449 = tpu.memref_squeeze %dma_start3A_1448 : memref<1x128x64xf32, #tpu.memory_space<vmem>> -> memref<128x64xf32, #tpu.memory_space<vmem>>
        tpu.enqueue_dma source(%dma_start3A_1449 : memref<128x64xf32, #tpu.memory_space<vmem>>) target(%dma_start3A_1445 : memref<128x64xf32, #tpu.memory_space<hbm>>) target_semaphore(%run_scoped3A_1435 : memref<!tpu.dma_semaphore, #tpu.memory_space<semaphore_mem>>)
        %dma_wait3A_1450 = arith.constant 0 : i32
        %dma_wait3A_1451 = arith.constant 0 : i32
        %dma_wait3A_1452 = tpu.memref_slice %arg6[%run_scoped3A_1378, %dma_wait3A_1450, %dma_wait3A_1451] : memref<8x128x64xf32, #tpu.memory_space<vmem>> -> memref<1x128x64xf32, #tpu.memory_space<vmem>>
        %dma_wait3A_1453 = tpu.memref_squeeze %dma_wait3A_1452 : memref<1x128x64xf32, #tpu.memory_space<vmem>> -> memref<128x64xf32, #tpu.memory_space<vmem>>
        %dma_wait3A_1454 = arith.constant 0 : i32
        %dma_wait3A_1455 = tpu.memref_slice %arg4[%add3A_1377, %select_n3A_1358, %dma_wait3A_1454] : memref<16384x50x64xf32, #tpu.memory_space<hbm>> -> memref<128x1x64xf32, #tpu.memory_space<hbm>>
        %dma_wait3A_1456 = tpu.memref_squeeze %dma_wait3A_1455 : memref<128x1x64xf32, #tpu.memory_space<hbm>> -> memref<128x64xf32, #tpu.memory_space<hbm>>
        %dma_wait3A_1457 = arith.constant 0 : i32
        %dma_wait3A_1458 = tpu.memref_slice %arg4[%add3A_1377, %select_n3A_1358, %dma_wait3A_1457] : memref<16384x50x64xf32, #tpu.memory_space<hbm>> -> memref<128x1x64xf32, #tpu.memory_space<hbm>>
        %dma_wait3A_1459 = tpu.memref_squeeze %dma_wait3A_1458 : memref<128x1x64xf32, #tpu.memory_space<hbm>> -> memref<128x64xf32, #tpu.memory_space<hbm>>
        %dma_wait3A_1460 = arith.constant 0 : i32
        %dma_wait3A_1461 = arith.constant 0 : i32
        %dma_wait3A_1462 = tpu.memref_slice %arg6[%run_scoped3A_1378, %dma_wait3A_1460, %dma_wait3A_1461] : memref<8x128x64xf32, #tpu.memory_space<vmem>> -> memref<1x128x64xf32, #tpu.memory_space<vmem>>
        %dma_wait3A_1463 = tpu.memref_squeeze %dma_wait3A_1462 : memref<1x128x64xf32, #tpu.memory_space<vmem>> -> memref<128x64xf32, #tpu.memory_space<vmem>>
        tpu.wait_dma2 semaphore(%run_scoped3A_1435 : memref<!tpu.dma_semaphore, #tpu.memory_space<semaphore_mem>>) src(%dma_wait3A_1463 : memref<128x64xf32, #tpu.memory_space<vmem>>) dst(%dma_wait3A_1459 : memref<128x64xf32, #tpu.memory_space<hbm>>)
        tpu.yield
      }) : () -> ()
      %add3A_1379 = arith.constant 8 : i32
      %add3A_1380 = arith.addi %add3A_1282, %add3A_1379 : i32
      %min3A_1381 = arith.constant 199 : i32
      %min3A_1382 = arith.minsi %add3A_1380, %min3A_1381 : i32
      %jit3A_1383 = arith.constant 4 : i32
      %div3A_1384 = arith.divsi %min3A_1382, %jit3A_1383 : i32
      %sign3A_1385 = arith.constant 0 : i32
      %sign3A_1386 = arith.cmpi sgt, %min3A_1382, %sign3A_1385 : i32
      %sign3A_1387 = arith.extui %sign3A_1386 : i1 to i32
      %sign3A_1388 = arith.constant 0 : i32
      %sign3A_1389 = arith.cmpi slt, %min3A_1382, %sign3A_1388 : i32
      %sign3A_1390 = arith.extui %sign3A_1389 : i1 to i32
      %sign3A_1391 = arith.subi %sign3A_1387, %sign3A_1390 : i32
      %sign3A_1392 = arith.constant 0 : i32
      %sign3A_1393 = arith.cmpi sgt, %jit3A_1383, %sign3A_1392 : i32
      %sign3A_1394 = arith.extui %sign3A_1393 : i1 to i32
      %sign3A_1395 = arith.constant 0 : i32
      %sign3A_1396 = arith.cmpi slt, %jit3A_1383, %sign3A_1395 : i32
      %sign3A_1397 = arith.extui %sign3A_1396 : i1 to i32
      %sign3A_1398 = arith.subi %sign3A_1394, %sign3A_1397 : i32
      %ne3A_1399 = arith.cmpi ne, %sign3A_1391, %sign3A_1398 : i32
      %rem3A_1400 = arith.remsi %min3A_1382, %jit3A_1383 : i32
      %ne3A_1401 = arith.constant 0 : i32
      %ne3A_1402 = arith.cmpi ne, %rem3A_1400, %ne3A_1401 : i32
      %and3A_1403 = arith.andi %ne3A_1399, %ne3A_1402 : i1
      %sub3A_1404 = arith.constant 1 : i32
      %sub3A_1405 = arith.subi %div3A_1384, %sub3A_1404 : i32
      %select_n3A_1406 = arith.select %and3A_1403, %sub3A_1405, %div3A_1384 : i32
      %jit3A_1407 = arith.constant 4 : i32
      %eq3A_1408 = arith.constant 0 : i32
      %eq3A_1409 = arith.cmpi eq, %jit3A_1407, %eq3A_1408 : i32
      %jit3A_1410 = arith.constant 1 : i32
      %select_n3A_1411 = arith.select %eq3A_1409, %jit3A_1410, %jit3A_1407 : i32
      %rem3A_1412 = arith.remsi %min3A_1382, %select_n3A_1411 : i32
      %ne3A_1413 = arith.constant 0 : i32
      %ne3A_1414 = arith.cmpi ne, %rem3A_1412, %ne3A_1413 : i32
      %lt3A_1415 = arith.constant 0 : i32
      %lt3A_1416 = arith.cmpi slt, %rem3A_1412, %lt3A_1415 : i32
      %lt3A_1417 = arith.constant 0 : i32
      %lt3A_1418 = arith.cmpi slt, %select_n3A_1411, %lt3A_1417 : i32
      %ne3A_1419 = arith.xori %lt3A_1416, %lt3A_1418 : i1
      %and3A_1420 = arith.andi %ne3A_1419, %ne3A_1414 : i1
      %add3A_1421 = arith.addi %rem3A_1412, %select_n3A_1411 : i32
      %select_n3A_1422 = arith.select %and3A_1420, %add3A_1421, %rem3A_1412 : i32
      %mul3A_1423 = arith.constant 128 : i32
      %mul3A_1424 = arith.muli %select_n3A_1422, %mul3A_1423 : i32
      %dma_start3A_1425 = arith.constant 7 : i32
      %dma_start3A_1426 = arith.constant 0 : i32
      %dma_start3A_1427 = arith.constant 0 : i32
      %dma_start3A_1428 = tpu.memref_slice %arg6[%dma_start3A_1425, %dma_start3A_1426, %dma_start3A_1427] : memref<8x128x64xf32, #tpu.memory_space<vmem>> -> memref<1x128x64xf32, #tpu.memory_space<vmem>>
      %dma_start3A_1429 = tpu.memref_squeeze %dma_start3A_1428 : memref<1x128x64xf32, #tpu.memory_space<vmem>> -> memref<128x64xf32, #tpu.memory_space<vmem>>
      %dma_start3A_1430 = tpu.memref_slice %arg5[%select_n3A_1406, %mul3A_1424] : memref<50x512xi32, #tpu.memory_space<vmem>> -> memref<1x128xi32, #tpu.memory_space<vmem>>
      %dma_start3A_1431 = tpu.memref_squeeze %dma_start3A_1430 : memref<1x128xi32, #tpu.memory_space<vmem>> -> memref<128xi32, #tpu.memory_space<vmem>>
      %dma_start3A_1432 = arith.constant 0 : i32
      %dma_start3A_1433 = arith.constant 0 : i32
      %dma_start3A_1434 = tpu.memref_slice %arg3[%dma_start3A_1432, %dma_start3A_1433] : memref<1000000x64xf32, #tpu.memory_space<hbm>> -> memref<1000000x64xf32, #tpu.memory_space<hbm>>
      tpu.enqueue_indirect_dma source(%dma_start3A_1434 : memref<1000000x64xf32, #tpu.memory_space<hbm>>) target(%dma_start3A_1429 : memref<128x64xf32, #tpu.memory_space<vmem>>) offsets(%dma_start3A_1431 : memref<128xi32, #tpu.memory_space<vmem>>) semaphore(%arg14 : memref<!tpu.dma_semaphore, #tpu.memory_space<semaphore_mem>>)
    }
    %scan3A_102 = arith.constant 25 : i32
    %dma_wait3A = arith.constant 49 : i32
    %dma_wait3A_103 = arith.constant 0 : i32
    %dma_wait3A_104 = arith.constant 0 : i32
    %dma_wait3A_105 = arith.constant 0 : i32
    %dma_wait3A_106 = tpu.memref_slice %arg6[%dma_wait3A_103, %dma_wait3A_104, %dma_wait3A_105] : memref<8x128x64xf32, #tpu.memory_space<vmem>> -> memref<1x128x64xf32, #tpu.memory_space<vmem>>
    %dma_wait3A_107 = tpu.memref_squeeze %dma_wait3A_106 : memref<1x128x64xf32, #tpu.memory_space<vmem>> -> memref<128x64xf32, #tpu.memory_space<vmem>>
    %dma_wait3A_108 = arith.constant 384 : i32
    %dma_wait3A_109 = tpu.memref_slice %arg5[%dma_wait3A, %dma_wait3A_108] : memref<50x512xi32, #tpu.memory_space<vmem>> -> memref<1x128xi32, #tpu.memory_space<vmem>>
    %dma_wait3A_110 = tpu.memref_squeeze %dma_wait3A_109 : memref<1x128xi32, #tpu.memory_space<vmem>> -> memref<128xi32, #tpu.memory_space<vmem>>
    %dma_wait3A_111 = arith.constant 0 : i32
    %dma_wait3A_112 = arith.constant 0 : i32
    %dma_wait3A_113 = tpu.memref_slice %arg3[%dma_wait3A_111, %dma_wait3A_112] : memref<1000000x64xf32, #tpu.memory_space<hbm>> -> memref<1000000x64xf32, #tpu.memory_space<hbm>>
    tpu.wait_indirect_dma semaphore(%arg7 : memref<!tpu.dma_semaphore, #tpu.memory_space<semaphore_mem>>) src(%dma_wait3A_113 : memref<1000000x64xf32, #tpu.memory_space<hbm>>) dst(%dma_wait3A_107 : memref<128x64xf32, #tpu.memory_space<vmem>>)
    %dma_wait3A_114 = arith.constant 49 : i32
    %dma_wait3A_115 = arith.constant 1 : i32
    %dma_wait3A_116 = arith.constant 0 : i32
    %dma_wait3A_117 = arith.constant 0 : i32
    %dma_wait3A_118 = tpu.memref_slice %arg6[%dma_wait3A_115, %dma_wait3A_116, %dma_wait3A_117] : memref<8x128x64xf32, #tpu.memory_space<vmem>> -> memref<1x128x64xf32, #tpu.memory_space<vmem>>
    %dma_wait3A_119 = tpu.memref_squeeze %dma_wait3A_118 : memref<1x128x64xf32, #tpu.memory_space<vmem>> -> memref<128x64xf32, #tpu.memory_space<vmem>>
    %dma_wait3A_120 = arith.constant 384 : i32
    %dma_wait3A_121 = tpu.memref_slice %arg5[%dma_wait3A_114, %dma_wait3A_120] : memref<50x512xi32, #tpu.memory_space<vmem>> -> memref<1x128xi32, #tpu.memory_space<vmem>>
    %dma_wait3A_122 = tpu.memref_squeeze %dma_wait3A_121 : memref<1x128xi32, #tpu.memory_space<vmem>> -> memref<128xi32, #tpu.memory_space<vmem>>
    %dma_wait3A_123 = arith.constant 0 : i32
    %dma_wait3A_124 = arith.constant 0 : i32
    %dma_wait3A_125 = tpu.memref_slice %arg3[%dma_wait3A_123, %dma_wait3A_124] : memref<1000000x64xf32, #tpu.memory_space<hbm>> -> memref<1000000x64xf32, #tpu.memory_space<hbm>>
    tpu.wait_indirect_dma semaphore(%arg8 : memref<!tpu.dma_semaphore, #tpu.memory_space<semaphore_mem>>) src(%dma_wait3A_125 : memref<1000000x64xf32, #tpu.memory_space<hbm>>) dst(%dma_wait3A_119 : memref<128x64xf32, #tpu.memory_space<vmem>>)
    %dma_wait3A_126 = arith.constant 49 : i32
    %dma_wait3A_127 = arith.constant 2 : i32
    %dma_wait3A_128 = arith.constant 0 : i32
    %dma_wait3A_129 = arith.constant 0 : i32
    %dma_wait3A_130 = tpu.memref_slice %arg6[%dma_wait3A_127, %dma_wait3A_128, %dma_wait3A_129] : memref<8x128x64xf32, #tpu.memory_space<vmem>> -> memref<1x128x64xf32, #tpu.memory_space<vmem>>
    %dma_wait3A_131 = tpu.memref_squeeze %dma_wait3A_130 : memref<1x128x64xf32, #tpu.memory_space<vmem>> -> memref<128x64xf32, #tpu.memory_space<vmem>>
    %dma_wait3A_132 = arith.constant 384 : i32
    %dma_wait3A_133 = tpu.memref_slice %arg5[%dma_wait3A_126, %dma_wait3A_132] : memref<50x512xi32, #tpu.memory_space<vmem>> -> memref<1x128xi32, #tpu.memory_space<vmem>>
    %dma_wait3A_134 = tpu.memref_squeeze %dma_wait3A_133 : memref<1x128xi32, #tpu.memory_space<vmem>> -> memref<128xi32, #tpu.memory_space<vmem>>
    %dma_wait3A_135 = arith.constant 0 : i32
    %dma_wait3A_136 = arith.constant 0 : i32
    %dma_wait3A_137 = tpu.memref_slice %arg3[%dma_wait3A_135, %dma_wait3A_136] : memref<1000000x64xf32, #tpu.memory_space<hbm>> -> memref<1000000x64xf32, #tpu.memory_space<hbm>>
    tpu.wait_indirect_dma semaphore(%arg9 : memref<!tpu.dma_semaphore, #tpu.memory_space<semaphore_mem>>) src(%dma_wait3A_137 : memref<1000000x64xf32, #tpu.memory_space<hbm>>) dst(%dma_wait3A_131 : memref<128x64xf32, #tpu.memory_space<vmem>>)
    %dma_wait3A_138 = arith.constant 49 : i32
    %dma_wait3A_139 = arith.constant 3 : i32
    %dma_wait3A_140 = arith.constant 0 : i32
    %dma_wait3A_141 = arith.constant 0 : i32
    %dma_wait3A_142 = tpu.memref_slice %arg6[%dma_wait3A_139, %dma_wait3A_140, %dma_wait3A_141] : memref<8x128x64xf32, #tpu.memory_space<vmem>> -> memref<1x128x64xf32, #tpu.memory_space<vmem>>
    %dma_wait3A_143 = tpu.memref_squeeze %dma_wait3A_142 : memref<1x128x64xf32, #tpu.memory_space<vmem>> -> memref<128x64xf32, #tpu.memory_space<vmem>>
    %dma_wait3A_144 = arith.constant 384 : i32
    %dma_wait3A_145 = tpu.memref_slice %arg5[%dma_wait3A_138, %dma_wait3A_144] : memref<50x512xi32, #tpu.memory_space<vmem>> -> memref<1x128xi32, #tpu.memory_space<vmem>>
    %dma_wait3A_146 = tpu.memref_squeeze %dma_wait3A_145 : memref<1x128xi32, #tpu.memory_space<vmem>> -> memref<128xi32, #tpu.memory_space<vmem>>
    %dma_wait3A_147 = arith.constant 0 : i32
    %dma_wait3A_148 = arith.constant 0 : i32
    %dma_wait3A_149 = tpu.memref_slice %arg3[%dma_wait3A_147, %dma_wait3A_148] : memref<1000000x64xf32, #tpu.memory_space<hbm>> -> memref<1000000x64xf32, #tpu.memory_space<hbm>>
    tpu.wait_indirect_dma semaphore(%arg10 : memref<!tpu.dma_semaphore, #tpu.memory_space<semaphore_mem>>) src(%dma_wait3A_149 : memref<1000000x64xf32, #tpu.memory_space<hbm>>) dst(%dma_wait3A_143 : memref<128x64xf32, #tpu.memory_space<vmem>>)
    %dma_wait3A_150 = arith.constant 49 : i32
    %dma_wait3A_151 = arith.constant 4 : i32
    %dma_wait3A_152 = arith.constant 0 : i32
    %dma_wait3A_153 = arith.constant 0 : i32
    %dma_wait3A_154 = tpu.memref_slice %arg6[%dma_wait3A_151, %dma_wait3A_152, %dma_wait3A_153] : memref<8x128x64xf32, #tpu.memory_space<vmem>> -> memref<1x128x64xf32, #tpu.memory_space<vmem>>
    %dma_wait3A_155 = tpu.memref_squeeze %dma_wait3A_154 : memref<1x128x64xf32, #tpu.memory_space<vmem>> -> memref<128x64xf32, #tpu.memory_space<vmem>>
    %dma_wait3A_156 = arith.constant 384 : i32
    %dma_wait3A_157 = tpu.memref_slice %arg5[%dma_wait3A_150, %dma_wait3A_156] : memref<50x512xi32, #tpu.memory_space<vmem>> -> memref<1x128xi32, #tpu.memory_space<vmem>>
    %dma_wait3A_158 = tpu.memref_squeeze %dma_wait3A_157 : memref<1x128xi32, #tpu.memory_space<vmem>> -> memref<128xi32, #tpu.memory_space<vmem>>
    %dma_wait3A_159 = arith.constant 0 : i32
    %dma_wait3A_160 = arith.constant 0 : i32
    %dma_wait3A_161 = tpu.memref_slice %arg3[%dma_wait3A_159, %dma_wait3A_160] : memref<1000000x64xf32, #tpu.memory_space<hbm>> -> memref<1000000x64xf32, #tpu.memory_space<hbm>>
    tpu.wait_indirect_dma semaphore(%arg11 : memref<!tpu.dma_semaphore, #tpu.memory_space<semaphore_mem>>) src(%dma_wait3A_161 : memref<1000000x64xf32, #tpu.memory_space<hbm>>) dst(%dma_wait3A_155 : memref<128x64xf32, #tpu.memory_space<vmem>>)
    %dma_wait3A_162 = arith.constant 49 : i32
    %dma_wait3A_163 = arith.constant 5 : i32
    %dma_wait3A_164 = arith.constant 0 : i32
    %dma_wait3A_165 = arith.constant 0 : i32
    %dma_wait3A_166 = tpu.memref_slice %arg6[%dma_wait3A_163, %dma_wait3A_164, %dma_wait3A_165] : memref<8x128x64xf32, #tpu.memory_space<vmem>> -> memref<1x128x64xf32, #tpu.memory_space<vmem>>
    %dma_wait3A_167 = tpu.memref_squeeze %dma_wait3A_166 : memref<1x128x64xf32, #tpu.memory_space<vmem>> -> memref<128x64xf32, #tpu.memory_space<vmem>>
    %dma_wait3A_168 = arith.constant 384 : i32
    %dma_wait3A_169 = tpu.memref_slice %arg5[%dma_wait3A_162, %dma_wait3A_168] : memref<50x512xi32, #tpu.memory_space<vmem>> -> memref<1x128xi32, #tpu.memory_space<vmem>>
    %dma_wait3A_170 = tpu.memref_squeeze %dma_wait3A_169 : memref<1x128xi32, #tpu.memory_space<vmem>> -> memref<128xi32, #tpu.memory_space<vmem>>
    %dma_wait3A_171 = arith.constant 0 : i32
    %dma_wait3A_172 = arith.constant 0 : i32
    %dma_wait3A_173 = tpu.memref_slice %arg3[%dma_wait3A_171, %dma_wait3A_172] : memref<1000000x64xf32, #tpu.memory_space<hbm>> -> memref<1000000x64xf32, #tpu.memory_space<hbm>>
    tpu.wait_indirect_dma semaphore(%arg12 : memref<!tpu.dma_semaphore, #tpu.memory_space<semaphore_mem>>) src(%dma_wait3A_173 : memref<1000000x64xf32, #tpu.memory_space<hbm>>) dst(%dma_wait3A_167 : memref<128x64xf32, #tpu.memory_space<vmem>>)
    %dma_wait3A_174 = arith.constant 49 : i32
    %dma_wait3A_175 = arith.constant 6 : i32
    %dma_wait3A_176 = arith.constant 0 : i32
    %dma_wait3A_177 = arith.constant 0 : i32
    %dma_wait3A_178 = tpu.memref_slice %arg6[%dma_wait3A_175, %dma_wait3A_176, %dma_wait3A_177] : memref<8x128x64xf32, #tpu.memory_space<vmem>> -> memref<1x128x64xf32, #tpu.memory_space<vmem>>
    %dma_wait3A_179 = tpu.memref_squeeze %dma_wait3A_178 : memref<1x128x64xf32, #tpu.memory_space<vmem>> -> memref<128x64xf32, #tpu.memory_space<vmem>>
    %dma_wait3A_180 = arith.constant 384 : i32
    %dma_wait3A_181 = tpu.memref_slice %arg5[%dma_wait3A_174, %dma_wait3A_180] : memref<50x512xi32, #tpu.memory_space<vmem>> -> memref<1x128xi32, #tpu.memory_space<vmem>>
    %dma_wait3A_182 = tpu.memref_squeeze %dma_wait3A_181 : memref<1x128xi32, #tpu.memory_space<vmem>> -> memref<128xi32, #tpu.memory_space<vmem>>
    %dma_wait3A_183 = arith.constant 0 : i32
    %dma_wait3A_184 = arith.constant 0 : i32
    %dma_wait3A_185 = tpu.memref_slice %arg3[%dma_wait3A_183, %dma_wait3A_184] : memref<1000000x64xf32, #tpu.memory_space<hbm>> -> memref<1000000x64xf32, #tpu.memory_space<hbm>>
    tpu.wait_indirect_dma semaphore(%arg13 : memref<!tpu.dma_semaphore, #tpu.memory_space<semaphore_mem>>) src(%dma_wait3A_185 : memref<1000000x64xf32, #tpu.memory_space<hbm>>) dst(%dma_wait3A_179 : memref<128x64xf32, #tpu.memory_space<vmem>>)
    %dma_wait3A_186 = arith.constant 49 : i32
    %dma_wait3A_187 = arith.constant 7 : i32
    %dma_wait3A_188 = arith.constant 0 : i32
    %dma_wait3A_189 = arith.constant 0 : i32
    %dma_wait3A_190 = tpu.memref_slice %arg6[%dma_wait3A_187, %dma_wait3A_188, %dma_wait3A_189] : memref<8x128x64xf32, #tpu.memory_space<vmem>> -> memref<1x128x64xf32, #tpu.memory_space<vmem>>
    %dma_wait3A_191 = tpu.memref_squeeze %dma_wait3A_190 : memref<1x128x64xf32, #tpu.memory_space<vmem>> -> memref<128x64xf32, #tpu.memory_space<vmem>>
    %dma_wait3A_192 = arith.constant 384 : i32
    %dma_wait3A_193 = tpu.memref_slice %arg5[%dma_wait3A_186, %dma_wait3A_192] : memref<50x512xi32, #tpu.memory_space<vmem>> -> memref<1x128xi32, #tpu.memory_space<vmem>>
    %dma_wait3A_194 = tpu.memref_squeeze %dma_wait3A_193 : memref<1x128xi32, #tpu.memory_space<vmem>> -> memref<128xi32, #tpu.memory_space<vmem>>
    %dma_wait3A_195 = arith.constant 0 : i32
    %dma_wait3A_196 = arith.constant 0 : i32
    %dma_wait3A_197 = tpu.memref_slice %arg3[%dma_wait3A_195, %dma_wait3A_196] : memref<1000000x64xf32, #tpu.memory_space<hbm>> -> memref<1000000x64xf32, #tpu.memory_space<hbm>>
    tpu.wait_indirect_dma semaphore(%arg14 : memref<!tpu.dma_semaphore, #tpu.memory_space<semaphore_mem>>) src(%dma_wait3A_197 : memref<1000000x64xf32, #tpu.memory_space<hbm>>) dst(%dma_wait3A_191 : memref<128x64xf32, #tpu.memory_space<vmem>>)
    return
  }
}

</mosaic_0001>

<sc_bundles>
// kernel: kernel.3.cloned.1.call-start
scs
__scs_entry_jumppad:
0x0: {  	(pc) =	sbr.rel $0x88, $3  }
0x1: {  	(tag) =	ssettag $0x0;
	lr =	simm.s32 $0x1  }
0x2: {  	[smem:$0x3F9F] =	sst lr;
	_ =	strace $0xD0000000  }
0x3: {  	_ = 	snop  }
0x4: {  	_ = 	snop  }
0x5: {  	_ = 	snop  }
0x6: {  	_ = 	snop  }
0x7: {  	_ = 	snop  }
__scs_overlays_trampoline_lowered:
0x8: {  	[smem:$0x3FAE] =	sst s0  }
0x9: {  	[smem:$0x3FAF] =	sst s1  }
0xa: {  	[smem:$0x3FB0] =	sst s2  }
0xb: {  	[smem:$0x3FB1] =	sst s3  }
0xc: {  	[smem:$0x3FB2] =	sst s4  }
0xd: {  	[smem:$0x3FB3] =	sst s5  }
0xe: {  	[smem:$0x3FB4] =	sst s6  }
0xf: {  	[smem:$0x3FB5] =	sst s7  }
0x10: {  	[smem:$0x3FB6] =	sst s8  }
0x11: {  	[smem:$0x3FB7] =	sst s9;
	s0 =	simm.s32 @!p0 $0x0  }
0x12: {  	s1 =	sld [smem:$0x3F9D];
	s0 =	simm.s32 @p0 $0x1  }
0x13: {  	[smem:$0x3FB8] =	sst s0;
	s0 =	simm.s32 @!p1 $0x0  }
0x14: {  	s2 =	sld [smem:$0x3F9C];
	s0 =	simm.s32 @p1 $0x1  }
0x15: {  	[smem:$0x3FB9] =	sst s0;
	s0 =	simm.s32 @!p2 $0x0  }
0x16: {  	s3 =	sld [smem:$0x3FDB];
	s0 =	simm.s32 @p2 $0x1  }
0x17: {  	s4 =	simm.s32 $0x1BF5;
	[smem:$0x3FBB] =	sst s0  }
0x18: {  	s0 =	sld [smem:$0x3F9E];
	_ =	swait.ge [sflag:s4], $0x0  }
0x19: {  	s7 =	sld [smem:$0x3F9F]  }
0x1a: {  	s8 =	sadd.s32 $0xFFFFE003, lr  }
0x1b: {  	s9 =	sadd.s32 $0xFFFFFEF7, lr;
	s5 =	simm.s32 $0xFFFFFFFF;
	p2 =	slt.u32 s8, $0xFFFFF086  }
0x1c: {  	p1 =	slt.u32 s9, $0xF7A;
	s5 =	simm.s32 @!p2 $0x0  }
0x1d: {  	s5 =	simm.s32 @p1 $0x1;
	p0 =	seq.s32 s7, s2  }
0x1e: {  	s7 =	smul.u32 @!p0 $0xF7A, s2;
	p2 =	seq.s32 @!p0 s5, $0x0  }
0x1f: {  	s9 =	smul.u32 $0xF7A, s1;
	s8 =	simm.s32 @!p0 $0x1BF5;
	p2 =	por !p2, p0  }
0x20: {  	[sflag:s8] =	ssyncset.s32 @!p0 $0xFFFFF086;
	s6 =	sadd.s32 @!p0 s3, s7;
	s7 =	simm.s32 @!p0 $0x108  }
0x21: {  	s3 =	sadd.s32 s3, s9;
	s6 =	sadd.s32 @!p0 $0x88, s6;
	s7 =	simm.s32 @p2 $0x1082  }
0x22: {  	[simem:s7], [sflag:s8] =	dma.local @!p0 [hbm:s6], $0xF7A  }
0x23: {  	s9 =	sor.u32 $0xD0000000, s2;
	s6 =	simm.s32 $0x108;
	_ =	swait.ge @!p0 [sflag:s8], $0x0  }
0x24: {  	s3 =	sadd.s32 $0x88, s3;
	s6 =	simm.s32 @!p1 $0x1082;
	[sflag:s4] =	ssyncset.s32 $0xFFFFF086  }
0x25: {  	[simem:s6], [sflag:s4] =	dma.local [hbm:s3], $0xF7A  }
0x26: {  	[smem:$0x3F9F] =	sst s1;
	(tag) =	ssettag s2;
	_ =	strace s9  }
0x27: {  	s1 =	sld [smem:$0x3FAF]  }
0x28: {  	s2 =	sld [smem:$0x3FB0]  }
0x29: {  	s4 =	sld [smem:$0x3FB2]  }
0x2a: {  	p0 =	seq.s32 s5, $0x0;
	s5 =	sld [smem:$0x3FB3]  }
0x2b: {  	s6 =	sld [smem:$0x3FB4]  }
0x2c: {  	s7 =	sld [smem:$0x3FB5]  }
0x2d: {  	s3 =	simm.s32 $0x108;
	s8 =	sld [smem:$0x3FB6]  }
0x2e: {  	s3 =	simm.s32 @!p0 $0x1082;
	s9 =	sld [smem:$0x3FB7]  }
0x2f: {  	lr =	sadd.s32 s0, s3;
	s0 =	sld [smem:$0x3FAE]  }
0x30: {  	s3 =	sld [smem:$0x3FB1]  }
0x31: {  	[smem:$0x3FBA] =	sst s10  }
0x32: {  	s10 =	sld [smem:$0x3FB8];
	_ =	sdelay $0x3  }
0x33: {  	p0 =	seq.s32 s10, $0x1;
	s10 =	sld [smem:$0x3FBA];
	_ =	sdelay $0x3  }
0x34: {  	[smem:$0x3FBA] =	sst s10  }
0x35: {  	s10 =	sld [smem:$0x3FB9];
	_ =	sdelay $0x3  }
0x36: {  	p1 =	seq.s32 s10, $0x1;
	s10 =	sld [smem:$0x3FBA];
	_ =	sdelay $0x3  }
0x37: {  	[smem:$0x3FBA] =	sst s10  }
0x38: {  	s10 =	sld [smem:$0x3FBB]  }
0x39: {  	_ = 	snop;
	(pc) =	sbr.ind lr, $3  }
0x3a: {  	_ = 	snop  }
0x3b: {  	_ = 	snop  }
0x3c: {  	p2 =	seq.s32 s10, $0x1;
	s10 =	sld [smem:$0x3FBA]  }
0x3d: {  	_ =	shalt  }
0x3e: {  	_ =	shalt  }
0x3f: {  	_ =	shalt  }
0x40: {  	_ =	shalt  }
0x41: {  	_ =	shalt  }
0x42: {  	_ =	shalt  }
0x43: {  	_ =	shalt  }
0x44: {  	_ =	shalt  }
0x45: {  	_ =	shalt  }
0x46: {  	_ =	shalt  }
0x47: {  	_ =	shalt  }
0x48: {  	_ =	shalt  }
0x49: {  	_ =	shalt  }
0x4a: {  	_ =	shalt  }
0x4b: {  	_ =	shalt  }
0x4c: {  	_ =	shalt  }
0x4d: {  	_ =	shalt  }
0x4e: {  	_ =	shalt  }
0x4f: {  	_ =	shalt  }
0x50: {  	_ =	shalt  }
0x51: {  	_ =	shalt  }
0x52: {  	_ =	shalt  }
0x53: {  	_ =	shalt  }
0x54: {  	_ =	shalt  }
0x55: {  	_ =	shalt  }
0x56: {  	_ =	shalt  }
0x57: {  	_ =	shalt  }
0x58: {  	_ =	shalt  }
0x59: {  	_ =	shalt  }
0x5a: {  	_ =	shalt  }
0x5b: {  	_ =	shalt  }
0x5c: {  	_ =	shalt  }
0x5d: {  	_ =	shalt  }
0x5e: {  	_ =	shalt  }
0x5f: {  	_ =	shalt  }
0x60: {  	_ =	shalt  }
0x61: {  	_ =	shalt  }
0x62: {  	_ =	shalt  }
0x63: {  	_ =	shalt  }
0x64: {  	_ =	shalt  }
0x65: {  	_ =	shalt  }
0x66: {  	_ =	shalt  }
0x67: {  	_ =	shalt  }
0x68: {  	_ =	shalt  }
0x69: {  	_ =	shalt  }
0x6a: {  	_ =	shalt  }
0x6b: {  	_ =	shalt  }
0x6c: {  	_ =	shalt  }
0x6d: {  	_ =	shalt  }
0x6e: {  	_ =	shalt  }
0x6f: {  	_ =	shalt  }
0x70: {  	_ =	shalt  }
0x71: {  	_ =	shalt  }
0x72: {  	_ =	shalt  }
0x73: {  	_ =	shalt  }
0x74: {  	_ =	shalt  }
0x75: {  	_ =	shalt  }
0x76: {  	_ =	shalt  }
0x77: {  	_ =	shalt  }
0x78: {  	_ =	shalt  }
0x79: {  	_ =	shalt  }
0x7a: {  	_ =	shalt  }
0x7b: {  	_ =	shalt  }
0x7c: {  	_ =	shalt  }
0x7d: {  	_ =	shalt  }
0x7e: {  	_ =	shalt  }
0x7f: {  	_ =	shalt  }
0x80: {  	_ =	shalt  }
0x81: {  	_ =	shalt  }
0x82: {  	_ =	shalt  }
0x83: {  	_ =	shalt  }
0x84: {  	_ =	shalt  }
0x85: {  	_ =	shalt  }
0x86: {  	_ =	shalt  }
0x87: {  	_ =	shalt  }
.Lfunc_end0:
.L_simem_size_0:
called_computation.1_lowered:
.L_overlay_start_0:
0x88: {  	s2 =	sld [smem:$0x3FD9]  }
0x89: {  	s3 =	sld [smem:$0x3FFE];
	_ =	sdelay $0x1  }
0x8a: {  	s1 =	srdreg.scid  }
0x8b: {  	s0 =	sand.u32 $0x1, s1  }
0x8c: {  	s17 =	sshll.u32 s0, $0xA;
	s2 =	sadd.s32 s3, s2  }
0x8d: {  	s2 =	sadd.s32 s2, s17  }
0x8e: {  	[smem:$0x3FC6] =	sst s2  }
0x8f: {  	_ = 	snop  }
0x90: {  	s2 =	sld [smem:$0x3FD0];
	(tm) =	ssettm $0x1  }
0x91: {  	s18 =	sld [smem:$0x3FFB];
	_ =	sdelay $0x3  }
0x92: {  	_ =	strace s18  }
0x93: {  	s3 =	sld [smem:$0x3FFC];
	_ =	sdelay $0x3  }
0x94: {  	_ =	strace s3  }
0x95: {  	s3 =	sld [smem:$0x3FFD];
	_ =	sdelay $0x3  }
0x96: {  	_ =	strace s3  }
0x97: {  	_ =	strace $0x8FFFFFFF  }
0x98: {  	s19 =	sld [smem:$0x3FDB];
	_ =	sdelay $0x1  }
0x99: {  	s4 =	simm.s32 $_scs_section_size  }
0x9a: {  	s5 =	simm.s32 $_size__tile_overlayer_lowered;
	s6 =	simm.s32 $_tile_overlayer_lowered  }
0x9b: {  	s22 =	simm.s32 $0x1BFF;
	s21 =	sshll.u32 s6, $0x1;
	s3 =	sadd.s32 s4, s19  }
0x9c: {  	s7 =	simm.s32 $0x0;
	s20 =	sshll.u32 s5, $0x1;
	s5 =	sadd.s32 s21, s3  }
0x9d: {  	[timem:s7], [sflag:s22] =	dma.local [hbm:s5], s20  }
0x9e: {  	_ =	swait.ge [sflag:s22], s20  }
0x9f: {  	s4 =	ssub.s32 $0x0, s20;
	[sflag:s22] =	ssyncset.done $0x0  }
0xa0: {  	[sflag:s22] =	ssyncadd.s32 s4;
	_ =	sdelay $0x1  }
0xa1: {  	s23 =	simm.s32 $0x1B8B  }
0xa2: {  	_ =	swait.ge [sflag:s23], $0x1  }
0xa3: {  	[sflag:s23] =	ssyncset.done $0x0  }
0xa4: {  	s25 =	simm.s32 $0x1B8E;
	s24 =	sld [smem:$0x3FFE];
	[sflag:s23] =	ssyncadd.s32 $0xFFFFFFFF  }
0xa5: {  	s26 =	simm.s32 $execute0_lowered;
	[smem:$0x3FD2] =	sst s25  }
0xa6: {  	s5 =	sshll.u32 s26, $0x1;
	_ =	strace $0x80000046;
	[dreg:$0x1] =	wrdreg $0xFFFFFFFF  }
0xa7: {  	s28 =	simm.s32 $_size_execute0_lowered;
	s3 =	sadd.s32 s3, s5;
	[dreg:$0x0] =	wrdreg $0x0  }
0xa8: {  	s5 =	sshll.u32 s28, $0x1;
	[dreg:$0x2] =	wrdreg s3  }
0xa9: {  	[dreg:$0x3] =	wrdreg s5  }
0xaa: {  	[dreg:$0x4] =	wrdreg $0xC0  }
0xab: {  	_ =	task [dreg:s7], $0x5FFFF  }
0xac: {  	[dreg:$0x1] =	wrdreg $0xFFFFFFFF  }
0xad: {  	[dreg:$0x0] =	wrdreg $0x60  }
0xae: {  	[dreg:$0x2] =	wrdreg s24  }
0xaf: {  	[dreg:$0x3] =	wrdreg s2  }
0xb0: {  	[dreg:$0x4] =	wrdreg $0x9  }
0xb1: {  	_ =	task.clear_ibuf [dreg:s7], $0x5FFFF;
	_ =	strace $0x90000046  }
0xb2: {  	s29 =	simm.s32 $0x9;
	_ =	strace $0x80000048  }
0xb3: {  	_ =	swait.ge [sflag:s29], $0x1  }
0xb4: {  	[sflag:s29] =	ssyncadd.s32 $0xFFFFFFFF  }
0xb5: {  	_ =	strace $0x90000048  }
0xb6: {  	_ =	sfence  }
0xb7: {  	s30 =	sld [smem:$0x0];
	_ =	sdelay $0x2  }
0xb8: {  	s31 =	sshll.u32 s1, $0xD;
	s1 =	sshrl.u32 s1, $0x2  }
0xb9: {  	s3 =	sand.u32 $0x4000, s31;
	s1 =	sadd.s32 s1, s30  }
0xba: {  	s0 =	sor.u32 s3, s0;
	s1 =	sshll.u32 s1, $0x11  }
0xbb: {  	s0 =	sor.u32 s1, s0  }
0xbc: {  	s0 =	sadd.s32 $0x8F2B, s0  }
0xbd: {  	[sflag:s0] =	ssyncadd.remote.s32 $0x1  }
0xbe: {  	_ =	sfence.sel $0xFFFF  }
0xbf: {  	[dreg:$0x0] =	wrdreg $0xFFFFFFFF;
	(pc) =	sbr.abs _section_cstart, $3  }
0xc0: {  	[dreg:$0x1] =	wrdreg $0xFFFFFFFF  }
0xc1: {  	_ =	task.clear_ibuf [dreg:s7], $0x2FFFF;
	_ =	strace $0x9FFFFFFF  }
0xc2: {  	(tm) =	ssettm $0x7FFFFFFF  }
0xc3: {  	_ =	shalt  }
tec
execute0_lowered:
.L_overlay_start_1:
0x0: {  	(tag) =	ssettag $0x1  }
0x1: {  	s0 =	rddreg [dreg:$0x0]  }
0x2: {  	s1 =	rddreg [dreg:$0x1]  }
0x3: {  	s3 =	srdreg.scid;
	s5 =	stileid.u32;
	s2 =	simm.s32 $0x0  }
0x4: {  	s9 =	simm.s32 $0x80;
	s28 =	simm.s32 $0x3;
	s29 =	simm.s32 $0x4  }
0x5: {  	s30 =	simm.s32 $0x5;
	s31 =	simm.s32 $0x6;
	s3 =	sand.u32 $0x1, s3  }
0x6: {  	s4 =	smul.u32 $0x320000, s5;
	s5 =	sshll.u32 s5, $0xA;
	[smem:$0x7FF] =	sst s2  }
0x7: {  	s6 =	sshll.u32 s3, $0x9;
	s7 =	smul.u32 $0x190000, s3;
	_ =	strace $0x80000047  }
0x8: {  	s10 =	ssub.s32 $0x2, s3;
	s3 =	sadd.s32 $0xF42E00, s0;
	s5 =	sor.u32 s6, s5  }
0x9: {  	s11 =	sshrl.u32 s10, $0x1;
	s5 =	sshrl.u32 s5, $0x3;
	s4 =	sadd.s32 s7, s4  }
0xa: {  	s5 =	sadd.s32 s5, s0;
	s7 =	sadd.s32 $0x12C040, s4;
	s0 =	ssub.s32 s10, s11  }
0xb: {  	s13 =	sadd.s32 $0xC8040, s4;
	s15 =	sadd.s32 $0x64040, s4;
	s8 =	sor.u32 $0x40, s4  }
0xc: {  	s19 =	sadd.s32 $0x12C000, s4;
	s21 =	sadd.s32 $0xC8000, s4;
	s22 =	sadd.s32 $0x64000, s4  }
0xd: {  	s26 =	sshrl.u32 s4, $0x3;
	s10 =	simm.s32 $0x6400;
	s11 =	simm.s32 $0x8400  }
0xe: {  	s7 =	sshrl.u32 s7, $0x3;
	s14 =	sshrl.u32 s13, $0x3;
	s17 =	sshrl.u32 s8, $0x3  }
0xf: {  	s20 =	sshrl.u32 s19, $0x3;
	s24 =	sshrl.u32 s22, $0x3;
	s4 =	sadd.s32 $0xA00, s5  }
0x10: {  	s5 =	smax.u32 s0, $0x1;
	s8 =	simm.s32 $0x9;
	s13 =	simm.s32 $0xA400  }
0x11: {  	s22 =	simm.s32 $0x14400;
	s0 =	simm.s32 $0x7;
	s12 =	sadd.s32 s7, s1  }
0x12: {  	s6 =	sadd.s32 s14, s1;
	s7 =	sshrl.u32 s15, $0x3;
	[dreg:$0x3] =	wrdreg s12  }
0x13: {  	s18 =	sadd.s32 s17, s1;
	s25 =	sadd.s32 s24, s1;
	[dreg:$0x4] =	wrdreg s6  }
0x14: {  	s15 =	simm.s32 $0xC400;
	s24 =	simm.s32 $0x40;
	[dreg:$0x6] =	wrdreg s18  }
0x15: {  	s16 =	sadd.s32 s7, s1;
	s6 =	sadd.s32 s20, s1;
	[dreg:$0x9] =	wrdreg s25  }
0x16: {  	s7 =	sshrl.u32 s21, $0x3;
	s18 =	simm.s32 $0x10400;
	[dreg:$0x5] =	wrdreg s16  }
0x17: {  	s20 =	simm.s32 $0x12400;
	s25 =	simm.s32 $0xC80;
	[dreg:$0x7] =	wrdreg s6  }
0x18: {  	s23 =	sadd.s32 s7, s1;
	s1 =	sadd.s32 s26, s1;
	s16 =	simm.s32 $0xE400  }
0x19: {  	s26 =	simm.s32 $0x2;
	s7 =	simm.s32 $0x0;
	[dreg:$0x8] =	wrdreg s23  }
0x1a: {  	[dreg:$0xa] =	wrdreg s1;
	s23 =	simm.s32 $0x1;
	s1 =	simm.s32 $0x8  }
.LBB2_1:
0x1b: {  	s6 =	simm.s32 $0x200;
	s12 =	simm.s32 $0x4000  }
0x1c: {  	[tilespmem:s2], [sflag:$0x9] =	stream.strided.gather [hbm4b:s4+s6], $0x6400, s12, s6, $0x38;
	[tilespmem:$0x16400] =	vst v63  }
0x1d: {  	_ =	swait.ge [sflag:s8], $0x6400  }
0x1e: {  	[sflag:s8] =	ssyncset.done $0x0  }
0x1f: {  	[sflag:s8] =	ssyncadd.s32 $0xFFFF9C00  }
0x20: {  	[tilespmem:s10], [sflag:$0x1] =	stream.indirect.gather [hbm4b:s3+s9], $0x40, s2, s9, $0xb8;
	[tilespmem:$0x16400] =	vst v63  }
0x21: {  	_ = 	snop  }
0x22: {  	[tilespmem:s11], [sflag:$0x2] =	stream.indirect.gather [hbm4b:s3+s9], $0x40, s9, s9, $0xb8;
	[tilespmem:$0x16400] =	vst v63  }
0x23: {  	s19 =	simm.s32 $0x100  }
0x24: {  	[tilespmem:s13], [sflag:$0x3] =	stream.indirect.gather [hbm4b:s3+s9], $0x40, s19, s9, $0xb8;
	[tilespmem:$0x16400] =	vst v63  }
0x25: {  	s21 =	simm.s32 $0x180  }
0x26: {  	[tilespmem:s15], [sflag:$0x4] =	stream.indirect.gather [hbm4b:s3+s9], $0x40, s21, s9, $0xb8;
	[tilespmem:$0x16400] =	vst v63  }
0x27: {  	_ = 	snop  }
0x28: {  	[tilespmem:s16], [sflag:$0x5] =	stream.indirect.gather [hbm4b:s3+s9], $0x40, s6, s9, $0xb8;
	[tilespmem:$0x16400] =	vst v63  }
0x29: {  	s12 =	simm.s32 $0x280  }
0x2a: {  	[tilespmem:s18], [sflag:$0x6] =	stream.indirect.gather [hbm4b:s3+s9], $0x40, s12, s9, $0xb8;
	[tilespmem:$0x16400] =	vst v63  }
0x2b: {  	s14 =	simm.s32 $0x300  }
0x2c: {  	[tilespmem:s20], [sflag:$0x7] =	stream.indirect.gather [hbm4b:s3+s9], $0x40, s14, s9, $0xb8;
	[tilespmem:$0x16400] =	vst v63  }
0x2d: {  	s17 =	simm.s32 $0x380  }
0x2e: {  	[tilespmem:s22], [sflag:$0x8] =	stream.indirect.gather [hbm4b:s3+s9], $0x40, s17, s9, $0xb8;
	[tilespmem:$0x16400] =	vst v63  }
0x2f: {  	s14 =	smin.u32 s2, $0xBF;
	_ =	swait.ge [sflag:s23], $0x2000  }
0x30: {  	s17 =	sshll.u32 s14, $0x9;
	s19 =	rddreg [dreg:$0xa];
	[sflag:s23] =	ssyncset.done $0x0  }
0x31: {  	s17 =	sadd.s32 $0x1000, s17;
	[sflag:s23] =	ssyncadd.s32 $0xFFFFE000;
	s12 =	sadd.s32 $0x0, s19  }
0x32: {  	[hbm4b:s12+s24] =	stream.strided.scatter [tilespmem:s10], [sflag:$0x9], $0x2000, s25, s24, $0x38;
	[tilespmem:$0x16400] =	vst v63  }
0x33: {  	s21 =	sshll.u32 s14, $0x7;
	s6 =	sand.u32 $0x3F800, s17;
	_ =	swait.ge [sflag:s8], $0x2000  }
0x34: {  	s14 =	sshrl.u32 s6, $0x2;
	s12 =	sand.u32 $0x180, s21;
	[sflag:s8] =	ssyncset.done $0x0  }
0x35: {  	s12 =	sor.u32 s12, s14;
	[sflag:s8] =	ssyncadd.s32 $0xFFFFE000  }
0x36: {  	[tilespmem:s10], [sflag:$0x1] =	stream.indirect.gather [hbm4b:s3+s9], $0x40, s12, s9, $0xb8;
	[tilespmem:$0x16400] =	vst v63  }
0x37: {  	_ =	swait.ge [sflag:s26], $0x2000  }
0x38: {  	s17 =	rddreg [dreg:$0x9];
	[sflag:s26] =	ssyncset.done $0x0  }
0x39: {  	[sflag:s26] =	ssyncadd.s32 $0xFFFFE000;
	s12 =	sadd.s32 $0x0, s17  }
0x3a: {  	[hbm4b:s12+s24] =	stream.strided.scatter [tilespmem:s11], [sflag:$0x9], $0x2000, s25, s24, $0x38;
	[tilespmem:$0x16400] =	vst v63  }
0x3b: {  	s19 =	smin.u32 s2, $0xBE;
	_ =	swait.ge [sflag:s8], $0x2000  }
0x3c: {  	s12 =	sshll.u32 s19, $0x7;
	[sflag:s8] =	ssyncset.done $0x0  }
0x3d: {  	s12 =	sadd.s32 $0x480, s12;
	[sflag:s8] =	ssyncadd.s32 $0xFFFFE000  }
0x3e: {  	[tilespmem:s11], [sflag:$0x2] =	stream.indirect.gather [hbm4b:s3+s9], $0x40, s12, s9, $0xb8;
	[tilespmem:$0x16400] =	vst v63  }
0x3f: {  	_ =	swait.ge [sflag:s28], $0x2000  }
0x40: {  	s21 =	rddreg [dreg:$0x8];
	[sflag:s28] =	ssyncset.done $0x0  }
0x41: {  	[sflag:s28] =	ssyncadd.s32 $0xFFFFE000;
	s12 =	sadd.s32 $0x0, s21  }
0x42: {  	[hbm4b:s12+s24] =	stream.strided.scatter [tilespmem:s13], [sflag:$0x9], $0x2000, s25, s24, $0x38;
	[tilespmem:$0x16400] =	vst v63  }
0x43: {  	s6 =	smin.u32 s2, $0xBD;
	_ =	swait.ge [sflag:s8], $0x2000  }
0x44: {  	s12 =	sshll.u32 s6, $0x7;
	[sflag:s8] =	ssyncset.done $0x0  }
0x45: {  	s12 =	sadd.s32 $0x500, s12;
	[sflag:s8] =	ssyncadd.s32 $0xFFFFE000  }
0x46: {  	[tilespmem:s13], [sflag:$0x3] =	stream.indirect.gather [hbm4b:s3+s9], $0x40, s12, s9, $0xb8;
	[tilespmem:$0x16400] =	vst v63  }
0x47: {  	_ =	swait.ge [sflag:s29], $0x2000  }
0x48: {  	s14 =	rddreg [dreg:$0x7];
	[sflag:s29] =	ssyncset.done $0x0  }
0x49: {  	[sflag:s29] =	ssyncadd.s32 $0xFFFFE000;
	s12 =	sadd.s32 $0x0, s14  }
0x4a: {  	[hbm4b:s12+s24] =	stream.strided.scatter [tilespmem:s15], [sflag:$0x9], $0x2000, s25, s24, $0x38;
	[tilespmem:$0x16400] =	vst v63  }
0x4b: {  	s17 =	smin.u32 s2, $0xBC;
	_ =	swait.ge [sflag:s8], $0x2000  }
0x4c: {  	s12 =	sshll.u32 s17, $0x7;
	[sflag:s8] =	ssyncset.done $0x0  }
0x4d: {  	s12 =	sadd.s32 $0x580, s12;
	[sflag:s8] =	ssyncadd.s32 $0xFFFFE000  }
0x4e: {  	[tilespmem:s15], [sflag:$0x4] =	stream.indirect.gather [hbm4b:s3+s9], $0x40, s12, s9, $0xb8;
	[tilespmem:$0x16400] =	vst v63  }
0x4f: {  	s21 =	smin.u32 s2, $0xBB;
	_ =	swait.ge [sflag:s30], $0x2000  }
0x50: {  	s6 =	sshll.u32 s21, $0x9;
	s19 =	rddreg [dreg:$0x6];
	[sflag:s30] =	ssyncset.done $0x0  }
0x51: {  	s17 =	sadd.s32 $0x1800, s6;
	[sflag:s30] =	ssyncadd.s32 $0xFFFFE000;
	s12 =	sadd.s32 $0x0, s19  }
0x52: {  	[hbm4b:s12+s24] =	stream.strided.scatter [tilespmem:s16], [sflag:$0x9], $0x2000, s25, s24, $0x38;
	[tilespmem:$0x16400] =	vst v63  }
0x53: {  	s14 =	sshll.u32 s21, $0x7;
	s19 =	sand.u32 $0x3F800, s17;
	_ =	swait.ge [sflag:s8], $0x2000  }
0x54: {  	s12 =	sand.u32 $0x180, s14;
	s14 =	sshrl.u32 s19, $0x2;
	[sflag:s8] =	ssyncset.done $0x0  }
0x55: {  	s12 =	sor.u32 s12, s14;
	[sflag:s8] =	ssyncadd.s32 $0xFFFFE000  }
0x56: {  	[tilespmem:s16], [sflag:$0x5] =	stream.indirect.gather [hbm4b:s3+s9], $0x40, s12, s9, $0xb8;
	[tilespmem:$0x16400] =	vst v63  }
0x57: {  	_ =	swait.ge [sflag:s31], $0x2000  }
0x58: {  	s21 =	rddreg [dreg:$0x5];
	[sflag:s31] =	ssyncset.done $0x0  }
0x59: {  	[sflag:s31] =	ssyncadd.s32 $0xFFFFE000;
	s12 =	sadd.s32 $0x0, s21  }
0x5a: {  	[hbm4b:s12+s24] =	stream.strided.scatter [tilespmem:s18], [sflag:$0x9], $0x2000, s25, s24, $0x38;
	[tilespmem:$0x16400] =	vst v63  }
0x5b: {  	s6 =	smin.u32 s2, $0xBA;
	_ =	swait.ge [sflag:s8], $0x2000  }
0x5c: {  	s12 =	sshll.u32 s6, $0x7;
	[sflag:s8] =	ssyncset.done $0x0  }
0x5d: {  	s12 =	sadd.s32 $0x680, s12;
	[sflag:s8] =	ssyncadd.s32 $0xFFFFE000  }
0x5e: {  	[tilespmem:s18], [sflag:$0x6] =	stream.indirect.gather [hbm4b:s3+s9], $0x40, s12, s9, $0xb8;
	[tilespmem:$0x16400] =	vst v63  }
0x5f: {  	_ =	swait.ge [sflag:s0], $0x2000  }
0x60: {  	s14 =	rddreg [dreg:$0x4];
	[sflag:s0] =	ssyncset.done $0x0  }
0x61: {  	[sflag:s0] =	ssyncadd.s32 $0xFFFFE000;
	s12 =	sadd.s32 $0x0, s14  }
0x62: {  	[hbm4b:s12+s24] =	stream.strided.scatter [tilespmem:s20], [sflag:$0x9], $0x2000, s25, s24, $0x38;
	[tilespmem:$0x16400] =	vst v63  }
0x63: {  	s17 =	smin.u32 s2, $0xB9;
	_ =	swait.ge [sflag:s8], $0x2000  }
0x64: {  	s12 =	sshll.u32 s17, $0x7;
	[sflag:s8] =	ssyncset.done $0x0  }
0x65: {  	s12 =	sadd.s32 $0x700, s12;
	[sflag:s8] =	ssyncadd.s32 $0xFFFFE000  }
0x66: {  	[tilespmem:s20], [sflag:$0x7] =	stream.indirect.gather [hbm4b:s3+s9], $0x40, s12, s9, $0xb8;
	[tilespmem:$0x16400] =	vst v63  }
0x67: {  	_ =	swait.ge [sflag:s1], $0x2000  }
0x68: {  	s19 =	rddreg [dreg:$0x3];
	[sflag:s1] =	ssyncset.done $0x0  }
0x69: {  	[sflag:s1] =	ssyncadd.s32 $0xFFFFE000;
	s12 =	sadd.s32 $0x0, s19  }
0x6a: {  	[hbm4b:s12+s24] =	stream.strided.scatter [tilespmem:s22], [sflag:$0x9], $0x2000, s25, s24, $0x38;
	[tilespmem:$0x16400] =	vst v63  }
0x6b: {  	s21 =	smin.u32 s2, $0xB8;
	s14 =	simm.s32 $0x0;
	_ =	swait.ge [sflag:s8], $0x2000  }
0x6c: {  	s17 =	sshll.u32 s21, $0x7;
	s12 =	simm.s32 $0x10;
	[sflag:s8] =	ssyncset.done $0x0  }
.LBB2_2:
0x6d: {  	[sflag:s8] =	ssyncadd.s32 $0xFFFFE000;
	s19 =	sadd.s32 $0x780, s17;
	s14 =	sadd.s32 $0x8, s14  }
0x6e: {  	[tilespmem:s22], [sflag:$0x8] =	stream.indirect.gather [hbm4b:s3+s9], $0x40, s19, s9, $0xb8;
	[tilespmem:$0x16400] =	vst v63  }
0x6f: {  	s21 =	smin.u32 s14, $0xBF  }
0x70: {  	s17 =	smov.u32 s12;
	_ =	swait.ge [sflag:s23], $0x2000;
	s6 =	sshll.u32 s21, $0x7  }
0x71: {  	s21 =	sshll.u32 s21, $0x9;
	s19 =	rddreg [dreg:$0xa];
	[sflag:s23] =	ssyncset.done $0x0  }
0x72: {  	s21 =	sadd.s32 $0x1000, s21;
	[sflag:s23] =	ssyncadd.s32 $0xFFFFE000;
	s19 =	sadd.s32 s17, s19  }
0x73: {  	[hbm4b:s19+s24] =	stream.strided.scatter [tilespmem:s10], [sflag:$0x9], $0x2000, s25, s24, $0x38;
	[tilespmem:$0x16400] =	vst v63  }
0x74: {  	s21 =	sand.u32 $0x3F800, s21;
	_ =	swait.ge [sflag:s8], $0x2000  }
0x75: {  	s6 =	sand.u32 $0x180, s6;
	s19 =	sshrl.u32 s21, $0x2;
	[sflag:s8] =	ssyncset.done $0x0  }
0x76: {  	s6 =	sor.u32 s6, s19;
	[sflag:s8] =	ssyncadd.s32 $0xFFFFE000  }
0x77: {  	[tilespmem:s10], [sflag:$0x1] =	stream.indirect.gather [hbm4b:s3+s9], $0x40, s6, s9, $0xb8;
	[tilespmem:$0x16400] =	vst v63  }
0x78: {  	_ =	swait.ge [sflag:s26], $0x2000  }
0x79: {  	s19 =	rddreg [dreg:$0x9];
	[sflag:s26] =	ssyncset.done $0x0  }
0x7a: {  	[sflag:s26] =	ssyncadd.s32 $0xFFFFE000;
	s6 =	sadd.s32 s17, s19  }
0x7b: {  	[hbm4b:s6+s24] =	stream.strided.scatter [tilespmem:s11], [sflag:$0x9], $0x2000, s25, s24, $0x38;
	[tilespmem:$0x16400] =	vst v63  }
0x7c: {  	s21 =	smin.u32 s14, $0xBE;
	_ =	swait.ge [sflag:s8], $0x2000  }
0x7d: {  	s21 =	sshll.u32 s21, $0x7;
	[sflag:s8] =	ssyncset.done $0x0  }
0x7e: {  	s6 =	sadd.s32 $0x480, s21;
	[sflag:s8] =	ssyncadd.s32 $0xFFFFE000  }
0x7f: {  	[tilespmem:s11], [sflag:$0x2] =	stream.indirect.gather [hbm4b:s3+s9], $0x40, s6, s9, $0xb8;
	[tilespmem:$0x16400] =	vst v63  }
0x80: {  	_ =	swait.ge [sflag:s28], $0x2000  }
0x81: {  	s19 =	rddreg [dreg:$0x8];
	[sflag:s28] =	ssyncset.done $0x0  }
0x82: {  	[sflag:s28] =	ssyncadd.s32 $0xFFFFE000;
	s6 =	sadd.s32 s17, s19  }
0x83: {  	[hbm4b:s6+s24] =	stream.strided.scatter [tilespmem:s13], [sflag:$0x9], $0x2000, s25, s24, $0x38;
	[tilespmem:$0x16400] =	vst v63  }
0x84: {  	s21 =	smin.u32 s14, $0xBD;
	_ =	swait.ge [sflag:s8], $0x2000  }
0x85: {  	s21 =	sshll.u32 s21, $0x7;
	[sflag:s8] =	ssyncset.done $0x0  }
0x86: {  	s6 =	sadd.s32 $0x500, s21;
	[sflag:s8] =	ssyncadd.s32 $0xFFFFE000  }
0x87: {  	[tilespmem:s13], [sflag:$0x3] =	stream.indirect.gather [hbm4b:s3+s9], $0x40, s6, s9, $0xb8;
	[tilespmem:$0x16400] =	vst v63  }
0x88: {  	_ =	swait.ge [sflag:s29], $0x2000  }
0x89: {  	s19 =	rddreg [dreg:$0x7];
	[sflag:s29] =	ssyncset.done $0x0  }
0x8a: {  	[sflag:s29] =	ssyncadd.s32 $0xFFFFE000;
	s6 =	sadd.s32 s17, s19  }
0x8b: {  	[hbm4b:s6+s24] =	stream.strided.scatter [tilespmem:s15], [sflag:$0x9], $0x2000, s25, s24, $0x38;
	[tilespmem:$0x16400] =	vst v63  }
0x8c: {  	s21 =	smin.u32 s14, $0xBC;
	_ =	swait.ge [sflag:s8], $0x2000  }
0x8d: {  	s21 =	sshll.u32 s21, $0x7;
	[sflag:s8] =	ssyncset.done $0x0  }
0x8e: {  	s19 =	smin.u32 s14, $0xBB;
	s6 =	sadd.s32 $0x580, s21;
	[sflag:s8] =	ssyncadd.s32 $0xFFFFE000  }
0x8f: {  	[tilespmem:s15], [sflag:$0x4] =	stream.indirect.gather [hbm4b:s3+s9], $0x40, s6, s9, $0xb8;
	[tilespmem:$0x16400] =	vst v63  }
0x90: {  	s21 =	sshll.u32 s19, $0x7;
	_ =	swait.ge [sflag:s30], $0x2000  }
0x91: {  	s19 =	sshll.u32 s19, $0x9;
	s6 =	rddreg [dreg:$0x6];
	[sflag:s30] =	ssyncset.done $0x0  }
0x92: {  	s19 =	sadd.s32 $0x1800, s19;
	[sflag:s30] =	ssyncadd.s32 $0xFFFFE000;
	s6 =	sadd.s32 s17, s6  }
0x93: {  	[hbm4b:s6+s24] =	stream.strided.scatter [tilespmem:s16], [sflag:$0x9], $0x2000, s25, s24, $0x38;
	[tilespmem:$0x16400] =	vst v63  }
0x94: {  	s19 =	sand.u32 $0x3F800, s19;
	_ =	swait.ge [sflag:s8], $0x2000  }
0x95: {  	s21 =	sand.u32 $0x180, s21;
	s6 =	sshrl.u32 s19, $0x2;
	[sflag:s8] =	ssyncset.done $0x0  }
0x96: {  	s6 =	sor.u32 s21, s6;
	[sflag:s8] =	ssyncadd.s32 $0xFFFFE000  }
0x97: {  	[tilespmem:s16], [sflag:$0x5] =	stream.indirect.gather [hbm4b:s3+s9], $0x40, s6, s9, $0xb8;
	[tilespmem:$0x16400] =	vst v63  }
0x98: {  	_ =	swait.ge [sflag:s31], $0x2000  }
0x99: {  	s19 =	rddreg [dreg:$0x5];
	[sflag:s31] =	ssyncset.done $0x0  }
0x9a: {  	[sflag:s31] =	ssyncadd.s32 $0xFFFFE000;
	s6 =	sadd.s32 s17, s19  }
0x9b: {  	[hbm4b:s6+s24] =	stream.strided.scatter [tilespmem:s18], [sflag:$0x9], $0x2000, s25, s24, $0x38;
	[tilespmem:$0x16400] =	vst v63  }
0x9c: {  	s21 =	smin.u32 s14, $0xBA;
	_ =	swait.ge [sflag:s8], $0x2000  }
0x9d: {  	s6 =	sshll.u32 s21, $0x7;
	[sflag:s8] =	ssyncset.done $0x0  }
0x9e: {  	s6 =	sadd.s32 $0x680, s6;
	[sflag:s8] =	ssyncadd.s32 $0xFFFFE000  }
0x9f: {  	[tilespmem:s18], [sflag:$0x6] =	stream.indirect.gather [hbm4b:s3+s9], $0x40, s6, s9, $0xb8;
	[tilespmem:$0x16400] =	vst v63  }
0xa0: {  	_ =	swait.ge [sflag:s0], $0x2000  }
0xa1: {  	s19 =	rddreg [dreg:$0x4];
	[sflag:s0] =	ssyncset.done $0x0  }
0xa2: {  	[sflag:s0] =	ssyncadd.s32 $0xFFFFE000;
	s6 =	sadd.s32 s17, s19  }
0xa3: {  	[hbm4b:s6+s24] =	stream.strided.scatter [tilespmem:s20], [sflag:$0x9], $0x2000, s25, s24, $0x38;
	[tilespmem:$0x16400] =	vst v63  }
0xa4: {  	s21 =	smin.u32 s14, $0xB9;
	_ =	swait.ge [sflag:s8], $0x2000  }
0xa5: {  	s6 =	sshll.u32 s21, $0x7;
	[sflag:s8] =	ssyncset.done $0x0  }
0xa6: {  	s6 =	sadd.s32 $0x700, s6;
	[sflag:s8] =	ssyncadd.s32 $0xFFFFE000  }
0xa7: {  	[tilespmem:s20], [sflag:$0x7] =	stream.indirect.gather [hbm4b:s3+s9], $0x40, s6, s9, $0xb8;
	[tilespmem:$0x16400] =	vst v63  }
0xa8: {  	p0 =	sne.s32 s12, $0x180;
	_ =	swait.ge [sflag:s1], $0x2000  }
.Ltmp0:
0xa9: {  	s19 =	rddreg [dreg:$0x3];
	[sflag:s1] =	ssyncset.done $0x0;
	(pc) =	sbr.rel @p0 .LBB2_2-.Ltmp0, $4  }
0xaa: {  	[sflag:s1] =	ssyncadd.s32 $0xFFFFE000;
	s6 =	sadd.s32 s17, s19  }
0xab: {  	[hbm4b:s6+s24] =	stream.strided.scatter [tilespmem:s22], [sflag:$0x9], $0x2000, s25, s24, $0x38;
	[tilespmem:$0x16400] =	vst v63  }
0xac: {  	s21 =	smin.u32 s14, $0xB8;
	_ =	swait.ge [sflag:s8], $0x2000  }
0xad: {  	s12 =	sadd.s32 $0x10, s12;
	s17 =	sshll.u32 s21, $0x7;
	[sflag:s8] =	ssyncset.done $0x0  }
0xae: {  	[sflag:s8] =	ssyncadd.s32 $0xFFFFE000;
	s6 =	sadd.s32 $0x780, s17  }
0xaf: {  	[tilespmem:s22], [sflag:$0x8] =	stream.indirect.gather [hbm4b:s3+s9], $0x40, s6, s9, $0xb8;
	[tilespmem:$0x16400] =	vst v63  }
0xb0: {  	_ =	swait.ge [sflag:s23], $0x2000  }
0xb1: {  	[sflag:s23] =	ssyncset.done $0x0  }
0xb2: {  	[sflag:s23] =	ssyncadd.s32 $0xFFFFE000  }
0xb3: {  	_ =	swait.ge [sflag:s26], $0x2000  }
0xb4: {  	[sflag:s26] =	ssyncset.done $0x0  }
0xb5: {  	[sflag:s26] =	ssyncadd.s32 $0xFFFFE000  }
0xb6: {  	_ =	swait.ge [sflag:s28], $0x2000  }
0xb7: {  	[sflag:s28] =	ssyncset.done $0x0  }
0xb8: {  	[sflag:s28] =	ssyncadd.s32 $0xFFFFE000  }
0xb9: {  	_ =	swait.ge [sflag:s29], $0x2000  }
0xba: {  	[sflag:s29] =	ssyncset.done $0x0  }
0xbb: {  	[sflag:s29] =	ssyncadd.s32 $0xFFFFE000  }
0xbc: {  	_ =	swait.ge [sflag:s30], $0x2000  }
0xbd: {  	[sflag:s30] =	ssyncset.done $0x0  }
0xbe: {  	[sflag:s30] =	ssyncadd.s32 $0xFFFFE000  }
0xbf: {  	_ =	swait.ge [sflag:s31], $0x2000  }
0xc0: {  	[sflag:s31] =	ssyncset.done $0x0  }
0xc1: {  	s7 =	sadd.s32 $0x1, s7;
	[sflag:s31] =	ssyncadd.s32 $0xFFFFE000  }
0xc2: {  	p0 =	sne.s32 s7, s5;
	_ =	swait.ge [sflag:s0], $0x2000  }
.Ltmp1:
0xc3: {  	[sflag:s0] =	ssyncset.done $0x0;
	(pc) =	sbr.rel @p0 .LBB2_1-.Ltmp1, $4  }
0xc4: {  	[sflag:s0] =	ssyncadd.s32 $0xFFFFE000  }
0xc5: {  	_ =	swait.ge [sflag:s1], $0x2000  }
0xc6: {  	[sflag:s1] =	ssyncset.done $0x0  }
0xc7: {  	[sflag:s1] =	ssyncadd.s32 $0xFFFFE000  }
0xc8: {  	_ =	sfence.sel $0x180000  }
0xc9: {  	[bflag:$0x0] =	sbarrier.arrive $0xFFFF  }
0xca: {  	_ =	strace $0x90000047  }
0xcb: {  	s0 =	stileid.u32;
	[bflag:$0x2] =	sbarrier.arrive $0xFFFF  }
0xcc: {  	p0 =	sne.s32 s0, $0x0;
	s0 =	rddreg [dreg:$0x2]  }
0xcd: {  	s0 =	sadd.s32 @!p0 $0x100000, s0  }
0xce: {  	[sflag:s0] =	ssyncadd.tile.s32 @!p0 $0x1;
	_ =	shalt  }
.Lfunc_end2:
_tile_overlayer_lowered:
.L_overlay_start_2:
0xcf: {  	(tag) =	ssettag $0x2  }
0xd0: {  	s0 =	rddreg [dreg:$0x0];
	s2 =	stileid.u32  }
0xd1: {  	s1 =	rddreg [dreg:$0x1];
	p0 =	sne.s32 s2, $0x0  }
0xd2: {  	s3 =	rddreg [dreg:$0x2];
	[bflag:$0x3] =	sbarrier.arrive $0xFFFF;
	s2 =	simm.s32 @!p0 $0x1C09  }
0xd3: {  	[timem:s3], [sflag:s2] =	dma.local @!p0 [hbm:s0], s1  }
0xd4: {  	s0 =	simm.s32 @!p0 $0x9  }
0xd5: {  	_ =	swait.ge @!p0 [sflag:s0], s1  }
0xd6: {  	s1 =	ssub.s32 @!p0 $0x0, s1;
	[sflag:s0] =	ssyncset.done @!p0 $0x0  }
0xd7: {  	[sflag:s0] =	ssyncadd.s32 @!p0 s1  }
0xd8: {  	[bflag:$0x3] =	sbarrier.arrive $0xFFFF  }
0xd9: {  	_ =	shalt  }

// kernel: sparse-core-data-format-call.cloned.1.call-start
scs
called_computation_lowered:
.L_overlay_start_0:
0x0: {  	s2 =	sld [smem:$0x3FD9]  }
0x1: {  	s3 =	sld [smem:$0x3FFE];
	_ =	sdelay $0x1  }
0x2: {  	s1 =	srdreg.scid  }
0x3: {  	s0 =	sand.u32 $0x1, s1  }
0x4: {  	s18 =	sshll.u32 s0, $0xA;
	s2 =	sadd.s32 s3, s2  }
0x5: {  	s2 =	sadd.s32 s2, s18  }
0x6: {  	[smem:$0x3FC6] =	sst s2  }
0x7: {  	_ = 	snop  }
0x8: {  	s2 =	sld [smem:$0x3FD0];
	(tm) =	ssettm $0x1  }
0x9: {  	s19 =	sld [smem:$0x3FFB];
	_ =	sdelay $0x3  }
0xa: {  	_ =	strace s19  }
0xb: {  	s3 =	sld [smem:$0x3FFC];
	_ =	sdelay $0x3  }
0xc: {  	_ =	strace s3  }
0xd: {  	s3 =	sld [smem:$0x3FFD];
	_ =	sdelay $0x3  }
0xe: {  	_ =	strace s3  }
0xf: {  	_ =	strace $0x8FFFFFFF  }
0x10: {  	s20 =	sld [smem:$0x3FDB];
	_ =	sdelay $0x1  }
0x11: {  	s4 =	simm.s32 $_scs_section_size  }
0x12: {  	s5 =	simm.s32 $_size__tile_overlayer_lowered;
	s6 =	simm.s32 $_tile_overlayer_lowered  }
0x13: {  	s23 =	simm.s32 $0x1BFF;
	s22 =	sshll.u32 s6, $0x1;
	s3 =	sadd.s32 s4, s20  }
0x14: {  	s7 =	simm.s32 $0x0;
	s21 =	sshll.u32 s5, $0x1;
	s5 =	sadd.s32 s22, s3  }
0x15: {  	[timem:s7], [sflag:s23] =	dma.local [hbm:s5], s21  }
0x16: {  	_ =	swait.ge [sflag:s23], s21  }
0x17: {  	s4 =	ssub.s32 $0x0, s21;
	[sflag:s23] =	ssyncset.done $0x0  }
0x18: {  	[sflag:s23] =	ssyncadd.s32 s4;
	_ =	sdelay $0x1  }
0x19: {  	s24 =	simm.s32 $0x1B8B  }
0x1a: {  	_ =	swait.ge [sflag:s24], $0x1  }
0x1b: {  	[sflag:s24] =	ssyncset.done $0x0  }
0x1c: {  	s26 =	simm.s32 $0x1B8E;
	s25 =	sld [smem:$0x3FFE];
	[sflag:s24] =	ssyncadd.s32 $0xFFFFFFFF  }
0x1d: {  	s27 =	simm.s32 $execute0_lowered;
	[smem:$0x3FD2] =	sst s26  }
0x1e: {  	s5 =	sshll.u32 s27, $0x1;
	_ =	strace $0x80000049;
	[dreg:$0x1] =	wrdreg $0xFFFFFFFF  }
0x1f: {  	s28 =	simm.s32 $_size_execute0_lowered;
	s3 =	sadd.s32 s3, s5;
	[dreg:$0x0] =	wrdreg $0x0  }
0x20: {  	s5 =	sshll.u32 s28, $0x1;
	[dreg:$0x2] =	wrdreg s3  }
0x21: {  	[dreg:$0x3] =	wrdreg s5  }
0x22: {  	[dreg:$0x4] =	wrdreg $0xC0  }
0x23: {  	_ =	task [dreg:s7], $0x5FFFF  }
0x24: {  	[dreg:$0x1] =	wrdreg $0xFFFFFFFF  }
0x25: {  	[dreg:$0x0] =	wrdreg $0x60  }
0x26: {  	[dreg:$0x2] =	wrdreg s25  }
0x27: {  	[dreg:$0x3] =	wrdreg s2  }
0x28: {  	[dreg:$0x4] =	wrdreg $0x9  }
0x29: {  	_ =	task.clear_ibuf [dreg:s7], $0x5FFFF;
	_ =	strace $0x90000049  }
0x2a: {  	s29 =	simm.s32 $0x9;
	_ =	strace $0x8000004B  }
0x2b: {  	_ =	swait.ge [sflag:s29], $0x1  }
0x2c: {  	[sflag:s29] =	ssyncadd.s32 $0xFFFFFFFF  }
0x2d: {  	_ =	strace $0x9000004B  }
0x2e: {  	_ =	sfence  }
0x2f: {  	s30 =	sld [smem:$0x0];
	_ =	sdelay $0x2  }
0x30: {  	s31 =	sshll.u32 s1, $0xD;
	s1 =	sshrl.u32 s1, $0x2  }
0x31: {  	s3 =	sand.u32 $0x4000, s31;
	s1 =	sadd.s32 s1, s30  }
0x32: {  	s0 =	sor.u32 s3, s0;
	s1 =	sshll.u32 s1, $0x11  }
0x33: {  	s0 =	sor.u32 s1, s0  }
0x34: {  	s0 =	sadd.s32 $0x8F2B, s0  }
0x35: {  	[sflag:s0] =	ssyncadd.remote.s32 $0x1  }
0x36: {  	_ =	sfence.sel $0xFFFF  }
0x37: {  	[dreg:$0x0] =	wrdreg $0xFFFFFFFF;
	(pc) =	sbr.abs _section_cstart, $3  }
0x38: {  	[dreg:$0x1] =	wrdreg $0xFFFFFFFF  }
0x39: {  	_ =	task.clear_ibuf [dreg:s7], $0x2FFFF;
	_ =	strace $0x9FFFFFFF  }
0x3a: {  	(tm) =	ssettm $0x7FFFFFFF  }
0x3b: {  	_ =	shalt  }
tec
execute0_lowered:
.L_overlay_start_1:
0x0: {  	(tag) =	ssettag $0x1  }
0x1: {  	s0 =	srdreg.scid  }
0x2: {  	s1 =	sshll.u32 s0, $0x4  }
0x3: {  	s0 =	stileid.u32;
	s1 =	sand.u32 $0x10, s1  }
0x4: {  	s1 =	sor.u32 s0, s1  }
0x5: {  	s6 =	rddreg [dreg:$0x0];
	s4 =	simm.s32 $0x1;
	s2 =	sshll.u32 s1, $0x7  }
0x6: {  	s7 =	simm.s32 $0x2;
	s12 =	simm.s32 $0x0;
	s1 =	ssub.s32 $0x4000, s2  }
0x7: {  	s8 =	simm.s32 $0x20000;
	s13 =	simm.s32 $0x0;
	s3 =	sand.u32 $0xF80, s1  }
0x8: {  	s9 =	simm.s32 $0x0;
	s5 =	sshrl.u32 s1, $0xC;
	p0 =	sne.s32 s3, $0x0  }
.Ltmp0:
0x9: {  	s1 =	rddreg [dreg:$0x2];
	s4 =	simm.s32 @!p0 $0x0;
	(pc) =	sbr.rel .LBB1_1-.Ltmp0, $4  }
0xa: {  	s11 =	simm.s32 $0x0;
	s3 =	rddreg [dreg:$0x1];
	s5 =	sadd.s32 s4, s5  }
0xb: {  	_ =	strace $0x8000004A;
	s4 =	simm.s32 $0x1;
	s5 =	smul.u32 $0x32, s5  }
0xc: {  	s6 =	sadd.s32 $0xA00, s6;
	s10 =	smov.u32 s2;
	[sflag:s4] =	ssyncpa.u1 $0x0  }
0xd: {  	p0 =	por $0x0, $0x0;
	[sflag:s7] =	ssyncpa.u1 $0x0;
	s7 =	sor.u32 $0x1, s5  }
.LBB1_4:
0xe: {  	s16 =	sshll.u32 s13, $0x3;
	s17 =	sand.u32 $0x78, s13  }
0xf: {  	s30 =	sand.u32 $0x1F800, s13;
	s12 =	sshll.u32 s12, $0x11;
	s16 =	sand.u32 $0x3C00, s16  }
0x10: {  	[tilespmem:s15+$0x810 ss:$0x81] =	vst.msk $0xffff, v2;
	s31 =	sand.u32 $0x7, s13;
	s16 =	sor.u32 s17, s16;
	s17 =	sadd.s32 s3, s30  }
0x11: {  	[tilespmem:s15+$0x1020 ss:$0x81] =	vst.msk $0xffff, v0;
	s13 =	sshll.u32 s31, $0x12;
	s12 =	sadd.s32 s12, s17;
	s16 =	sshrl.u32 s16, $0x3  }
0x12: {  	[tilespmem:s15+$0x0 ss:$0x81] =	vst.msk $0xffff, v1;
	s13 =	sor.u32 $0x400, s13;
	s12 =	sadd.s32 s16, s12  }
0x13: {  	[hbm4b:s12+s13] =	stream.strided.scatter [tilespmem:s14], [sflag:$0x2], $0x2000, s8, s13, $0x20;
	[tilespmem:$0x8080] =	vst v63  }
.LBB1_5:
0x14: {  	s14 =	sadd.s32 $0x1, s9  }
0x15: {  	s12 =	sadd.s32 $0x1000, s10;
	s16 =	smov.u32 s10;
	p2 =	sgt.s32 s14, $0x31  }
0x16: {  	s16 =	smov.u32 @p2 s12  }
0x17: {  	s14 =	simm.s32 @p2 $0x0;
	p2 =	sgt.s32 s16, $0x3FFF  }
0x18: {  	s16 =	smov.u32 @p2 s2;
	p2 =	sne.s32 s11, s7  }
.Ltmp1:
0x19: {  	p1 =	slt.u32 s11, $0x2;
	(pc) =	sbr.rel @!p2 .LBB1_6-.Ltmp1, $4  }
0x1a: {  	s15 =	simm.s32 @!p1 $0x2  }
0x1b: {  	s13 =	smov.u32 s10;
	p0 =	por !p0, !p0;
	_ =	swait.ge @!p1 [sflag:s15], $0x2000  }
0x1c: {  	s12 =	smov.u32 s9;
	[sflag:s15] =	ssyncset.done @!p1 $0x0;
	s9 =	smov.u32 s14  }
0x1d: {  	s11 =	sadd.s32 $0x1, s11;
	[sflag:s15] =	ssyncadd.s32 @!p1 $0xFFFFE000;
	s10 =	smov.u32 s16  }
.LBB1_1:
0x1e: {  	p1 =	sge.u32 s11, s5  }
0x1f: {  	s14 =	sand.u32 @!p1 $0x1FFFFFF, s9  }
0x20: {  	s15 =	smulhi.u32 @!p1 $0x4924925, s14;
	_ =	sdelay $0x1  }
0x21: {  	s15 =	smul.u32 @!p1 $0x38, s15  }
0x22: {  	s16 =	sxor.u32 @!p1 $0xFFFFFFFF, s11;
	s17 =	smul.u32 @!p1 $0x380, s10  }
0x23: {  	s31 =	sadd.s32 $0xFFFFFFFF, s11;
	s16 =	sshll.u32 @!p1 s16, $0xD;
	s14 =	ssub.s32 @!p1 s14, s15  }
0x24: {  	s15 =	sand.u32 @!p1 $0x2000, s16;
	s16 =	sadd.s32 @!p1 s6, s17;
	s14 =	sshll.u32 @!p1 s14, $0x4  }
0x25: {  	s17 =	simm.s32 @!p1 $0x1C00;
	s14 =	sadd.s32 @!p1 s14, s16;
	s16 =	simm.s32 @!p1 $0x40  }
0x26: {  	[tilespmem:s15], [sflag:$0x1] =	stream.strided.gather @!p1 [hbm4b:s14+s16], $0x2000, s17, s16, $0x38;
	[tilespmem:$0x8080] =	vst v63  }
0x27: {  	p1 =	sge.u32 s31, s5  }
.Ltmp2:
0x28: {  	_ = 	snop;
	(pc) =	sbr.rel @p1 .LBB1_5-.Ltmp2, $1  }
0x29: {  	_ =	sdelay $0x3  }
0x2a: {  	s14 =	simm.s32 $0x1  }
0x2b: {  	_ =	swait.ge [sflag:s4], $0x2000;
	s14 =	simm.s32 @!p0 $0x0  }
0x2c: {  	[sflag:s4] =	ssyncset.done $0x0;
	s15 =	sshll.u32 s14, $0xD  }
0x2d: {  	[sflag:s4] =	ssyncadd.s32 $0xFFFFE000;
	s18 =	sor.u32 $0x20, s15  }
0x2e: {  	s14 =	smul.u32 $0x8100, s14;
	v3 =	vld [tilespmem:s18+$0x10]  }
0x2f: {  	s30 =	sand.u32 $0x1, s11;
	v2 =	vld [tilespmem:s18+$0xFFFFFFF0]  }
0x30: {  	s15 =	smul.u32 $0x8100, s30;
	s14 =	sshrl.u32 s14, $0x2;
	v0 =	vld [tilespmem:s18+$0x0]  }
0x31: {  	v1 =	vld [tilespmem:s18+$0xFFFFFFE0];
	s16 =	sor.u32 $0x4000, s14  }
0x32: {  	s31 =	sshrl.u32 s15, $0x2;
	s15 =	sadd.s32 $0x0, s16  }
0x33: {  	s17 =	simm.s32 $0x4;
	s18 =	sadd.s32 $0x40, s18;
	s14 =	sor.u32 $0x4000, s31;
	[tilespmem:s15+$0x1830 ss:$0x81] =	vst.msk $0xffff, v3  }
.LBB1_3:
0x34: {  	v3 =	vld [tilespmem:s18+$0x10];
	p1 =	sne.s32 s17, $0x1FC;
	[tilespmem:s15+$0x810 ss:$0x81] =	vst.msk $0xffff, v2;
	s19 =	smov.u32 s17;
	s17 =	sadd.s32 $0x4, s17  }
.Ltmp3:
0x35: {  	v2 =	vld [tilespmem:s18+$0xFFFFFFF0];
	[tilespmem:s15+$0x1020 ss:$0x81] =	vst.msk $0xffff, v0;
	(pc) =	sbr.rel @p1 .LBB1_3-.Ltmp3, $4  }
0x36: {  	v0 =	vld [tilespmem:s18+$0x0];
	[tilespmem:s15+$0x0 ss:$0x81] =	vst.msk $0xffff, v1  }
0x37: {  	s15 =	sshra.s32 s19, $0x2;
	v1 =	vld [tilespmem:s18+$0xFFFFFFE0]  }
0x38: {  	s15 =	sadd.s32 s15, s16  }
0x39: {  	s18 =	sadd.s32 $0x40, s18;
	[tilespmem:s15+$0x1830 ss:$0x81] =	vst.msk $0xffff, v3  }
.Ltmp4:
0x3a: {  	_ = 	snop;
	(pc) =	sbr.rel .LBB1_4-.Ltmp4, $1  }
0x3b: {  	_ =	sdelay $0x3  }
.LBB1_6:
0x3c: {  	_ =	sfence.sel $0x180000  }
0x3d: {  	s2 =	simm.s32 $0x1;
	[bflag:$0x0] =	sbarrier.arrive $0xFFFF  }
0x3e: {  	s31 =	simm.s32 $0x2;
	[sflag:s2] =	ssyncpa.u1 $0x1  }
0x3f: {  	[sflag:s31] =	ssyncpa.u1 $0x1  }
0x40: {  	p0 =	sne.s32 s0, $0x0;
	_ =	strace $0x9000004A  }
0x41: {  	s0 =	sadd.s32 @!p0 $0x100000, s1;
	[bflag:$0x2] =	sbarrier.arrive $0xFFFF  }
0x42: {  	[sflag:s0] =	ssyncadd.tile.s32 @!p0 $0x1;
	_ =	shalt  }
.Lfunc_end1:
_tile_overlayer_lowered:
.L_overlay_start_2:
0x43: {  	(tag) =	ssettag $0x2  }
0x44: {  	s0 =	rddreg [dreg:$0x0];
	s2 =	stileid.u32  }
0x45: {  	s1 =	rddreg [dreg:$0x1];
	p0 =	sne.s32 s2, $0x0  }
0x46: {  	s3 =	rddreg [dreg:$0x2];
	[bflag:$0x3] =	sbarrier.arrive $0xFFFF;
	s2 =	simm.s32 @!p0 $0x1C01  }
0x47: {  	[timem:s3], [sflag:s2] =	dma.local @!p0 [hbm:s0], s1  }
0x48: {  	s0 =	simm.s32 @!p0 $0x1  }
0x49: {  	_ =	swait.ge @!p0 [sflag:s0], s1  }
0x4a: {  	s1 =	ssub.s32 @!p0 $0x0, s1;
	[sflag:s0] =	ssyncset.done @!p0 $0x0  }
0x4b: {  	[sflag:s0] =	ssyncadd.s32 @!p0 s1  }
0x4c: {  	[bflag:$0x3] =	sbarrier.arrive $0xFFFF  }
0x4d: {  	_ =	shalt  }

</sc_bundles>
